<compile_context>
chip_gen: v7x
topology: tpu7x:2x2x1
jax: 0.10.2.dev20260603
libtpu: 0.0.44.dev20260713+nightly
codegen_flags: <defaults>
</compile_context>

<pallas_src>
import jax
import jax.numpy as jnp
from jax import lax
from jax.experimental import pallas as pl
from jax.experimental.pallas import tpu as pltpu
from jax.experimental.pallas import tpu_sc as plsc

N_NODES = 100000
MAX_DEGREE = 64
NUM_SAMPLES = 32
BATCH = 65536

_PERM32 = (35, 45, 31, 63, 7, 4, 29, 44, 16, 58, 37, 19, 61, 2, 34, 5,
           30, 42, 3, 39, 56, 22, 6, 54, 18, 10, 11, 53, 32, 15, 49, 50)

_NC, _NS, _LANES = 2, 16, 16
_NW = _NC * _NS
_CH = 4096
_NCH = BATCH // _CH


def _body(table_hbm, idx_hbm, out_hbm, col_v, sh_idx, idx_v0, idx_v1,
          out_v0, out_v1, csem, isem0, isem1, osem0, osem1):
    s_ax = lax.axis_index("s")
    w = s_ax * _NC + lax.axis_index("c")
    p = jnp.int32(0)
    for k in range(_NW):
        p = jnp.where(w == k, jnp.int32(_PERM32[k]), p)
    pltpu.async_copy(table_hbm.at[pl.ds(p, 1), :], col_v, csem)

    @pl.when(s_ax == 0)
    def _():
        pltpu.sync_copy(idx_hbm, sh_idx)

    plsc.subcore_barrier()

    isems = (isem0, isem1)
    osems = (osem0, osem1)
    idx_vs = (idx_v0, idx_v1)
    out_vs = (out_v0, out_v1)
    pltpu.async_copy(sh_idx.at[pl.ds(0, _CH)], idx_v0, isems[0])
    pltpu.async_copy(sh_idx.at[pl.ds(_CH, _CH)], idx_v1, isems[1])
    pltpu.make_async_copy(table_hbm.at[pl.ds(p, 1), :], col_v, csem).wait()

    def super_body(s, _):
        for b in range(2):
            g = s * 2 + b
            pltpu.make_async_copy(
                sh_idx.at[pl.ds(0, _CH)], idx_vs[b], isems[b]).wait()

            @pl.when(g >= 2)
            def _():
                pltpu.make_async_copy(
                    out_vs[b], out_hbm.at[pl.ds(0, 1), pl.ds(0, _CH)],
                    osems[b]).wait()

            idx_b = idx_vs[b]
            out_b = out_vs[b]
            zeros16 = jnp.zeros((_LANES,), dtype=jnp.int32)

            def vec_body(i, _):
                base = i * (8 * _LANES)
                vs = [idx_b[pl.ds(base + k * _LANES, _LANES)]
                      for k in range(8)]
                gs = [plsc.load_gather(col_v, [zeros16, v]) for v in vs]
                for k in range(8):
                    out_b[0, pl.ds(base + k * _LANES, _LANES)] = gs[k]
                return 0

            lax.fori_loop(0, _CH // (8 * _LANES), vec_body, 0)
            pltpu.async_copy(
                out_vs[b], out_hbm.at[pl.ds(w, 1), pl.ds(g * _CH, _CH)],
                osems[b])

            @pl.when(g + 2 < _NCH)
            def _():
                pltpu.async_copy(
                    sh_idx.at[pl.ds((g + 2) * _CH, _CH)], idx_vs[b],
                    isems[b])
        return 0

    lax.fori_loop(0, _NCH // 2, super_body, 0)
    for b in range(2):
        pltpu.make_async_copy(
            out_vs[b], out_hbm.at[pl.ds(0, 1), pl.ds(0, _CH)],
            osems[b]).wait()


@jax.jit
def kernel(inputs, adj_info):
    mesh = plsc.VectorSubcoreMesh(core_axis_name="c", subcore_axis_name="s")
    out_t = pl.kernel(
        _body,
        out_type=jax.ShapeDtypeStruct((NUM_SAMPLES, BATCH), jnp.int32),
        mesh=mesh,
        compiler_params=pltpu.CompilerParams(
            needs_layout_passes=False,
            disable_bounds_checks=True,
            disable_semaphore_checks=True,
            skip_device_barrier=True,
        ),
        scratch_types=[
            pltpu.VMEM((1, N_NODES), jnp.int32),
            pltpu.VMEM_SHARED((BATCH,), jnp.int32),
            pltpu.VMEM((_CH,), jnp.int32),
            pltpu.VMEM((_CH,), jnp.int32),
            pltpu.VMEM((1, _CH), jnp.int32),
            pltpu.VMEM((1, _CH), jnp.int32),
            pltpu.SemaphoreType.DMA,
            pltpu.SemaphoreType.DMA,
            pltpu.SemaphoreType.DMA,
            pltpu.SemaphoreType.DMA,
            pltpu.SemaphoreType.DMA,
        ],
    )(adj_info.T, inputs)
    return out_t.T

# --- scband reference (transcript-rebuilt; emitter-appended) ---
"""Pipeline reference for scband-uniform-neighbor-sampler-71725953843774 (READ-ONLY COPY).

The authoritative reference and input builder live on the scoring server;
editing this copy changes nothing except your own understanding.
"""

import jax, jax.numpy as jnp
import numpy as np

N_NODES = 100000
MAX_DEGREE = 64
NUM_SAMPLES = 32
BATCH = 65536


def setup_inputs(seed: int = 0) -> dict:
    key = jax.random.key(seed)
    k1, k2 = jax.random.split(key)
    # adj_info is the constructor arg: padded adjacency lists [n_nodes, max_degree]
    adj_info = jax.random.randint(k1, (N_NODES, MAX_DEGREE), 0, N_NODES, dtype=jnp.int32)
    inputs = jax.random.randint(k2, (BATCH,), 0, N_NODES, dtype=jnp.int32)
    return {"inputs": inputs, "adj_info": adj_info}


def reference(inputs, adj_info):
    # tf.nn.embedding_lookup(adj_info, inputs)
    adj_lists = jnp.take(adj_info, inputs, axis=0)  # [B, max_degree]
    # tf.transpose -> tf.random.shuffle -> tf.transpose:
    # shuffles the leading dim of the transposed tensor, i.e. applies ONE shared
    # random permutation to the neighbor-slot (column) axis of adj_lists.
    perm = jax.random.permutation(jax.random.key(42), adj_lists.shape[1])
    adj_lists = adj_lists[:, perm]
    # tf.slice with begins=[0,0], sizes=[-1, num_samples] (k=0 for 1-D inputs)
    adj_lists = adj_lists[:, :NUM_SAMPLES]
    return adj_lists

if __name__ == "__main__":
    import jax
    _d = setup_inputs()
    print(jax.jit(kernel)(*tuple(_d.values())))

</pallas_src>

<mosaic_0001>
#map = affine_map<(d0, d1) -> (0, 0)>
#map1 = affine_map<(d0, d1) -> (0)>
module attributes {stable_mosaic.version = 14 : i64} {
  func.func @_body(%arg0: i32, %arg1: i32, %arg2: memref<64x100000xi32, #tpu.memory_space<hbm>>, %arg3: memref<65536xi32, #tpu.memory_space<hbm>>, %arg4: memref<32x65536xi32, #tpu.memory_space<hbm>>, %arg5: memref<1x100000xi32, #tpu.memory_space<vmem>>, %arg6: memref<65536xi32, #tpu.memory_space<vmem_shared>>, %arg7: memref<4096xi32, #tpu.memory_space<vmem>>, %arg8: memref<4096xi32, #tpu.memory_space<vmem>>, %arg9: memref<1x4096xi32, #tpu.memory_space<vmem>>, %arg10: memref<1x4096xi32, #tpu.memory_space<vmem>>, %arg11: memref<!tpu.dma_semaphore, #tpu.memory_space<semaphore_mem>>, %arg12: memref<!tpu.dma_semaphore, #tpu.memory_space<semaphore_mem>>, %arg13: memref<!tpu.dma_semaphore, #tpu.memory_space<semaphore_mem>>, %arg14: memref<!tpu.dma_semaphore, #tpu.memory_space<semaphore_mem>>, %arg15: memref<!tpu.dma_semaphore, #tpu.memory_space<semaphore_mem>>) attributes {dimension_semantics = [#tpu.dimension_semantics<core_parallel>, #tpu.dimension_semantics<subcore_parallel>], iteration_bounds = array<i64: 2, 16>, scalar_prefetch = 0 : i64, scratch_operands = 11 : i64, tpu.core_type = #tpu.core_type<sc_vector_subcore>, window_params = [{transform_indices = #map}, {transform_indices = #map1}, {transform_indices = #map}]} {
    %mul3A = arith.constant 2 : i32
    %mul3A_0 = arith.muli %arg1, %mul3A : i32
    %add3A = arith.addi %mul3A_0, %arg0 : i32
    %eq3A = arith.constant 0 : i32
    %eq3A_1 = arith.cmpi eq, %add3A, %eq3A : i32
    %jit3A = arith.constant 35 : i32
    %jit3A_2 = arith.constant 0 : i32
    %select_n3A = arith.select %eq3A_1, %jit3A, %jit3A_2 : i32
    %eq3A_3 = arith.constant 1 : i32
    %eq3A_4 = arith.cmpi eq, %add3A, %eq3A_3 : i32
    %jit3A_5 = arith.constant 45 : i32
    %select_n3A_6 = arith.select %eq3A_4, %jit3A_5, %select_n3A : i32
    %eq3A_7 = arith.constant 2 : i32
    %eq3A_8 = arith.cmpi eq, %add3A, %eq3A_7 : i32
    %jit3A_9 = arith.constant 31 : i32
    %select_n3A_10 = arith.select %eq3A_8, %jit3A_9, %select_n3A_6 : i32
    %eq3A_11 = arith.constant 3 : i32
    %eq3A_12 = arith.cmpi eq, %add3A, %eq3A_11 : i32
    %jit3A_13 = arith.constant 63 : i32
    %select_n3A_14 = arith.select %eq3A_12, %jit3A_13, %select_n3A_10 : i32
    %eq3A_15 = arith.constant 4 : i32
    %eq3A_16 = arith.cmpi eq, %add3A, %eq3A_15 : i32
    %jit3A_17 = arith.constant 7 : i32
    %select_n3A_18 = arith.select %eq3A_16, %jit3A_17, %select_n3A_14 : i32
    %eq3A_19 = arith.constant 5 : i32
    %eq3A_20 = arith.cmpi eq, %add3A, %eq3A_19 : i32
    %jit3A_21 = arith.constant 4 : i32
    %select_n3A_22 = arith.select %eq3A_20, %jit3A_21, %select_n3A_18 : i32
    %eq3A_23 = arith.constant 6 : i32
    %eq3A_24 = arith.cmpi eq, %add3A, %eq3A_23 : i32
    %jit3A_25 = arith.constant 29 : i32
    %select_n3A_26 = arith.select %eq3A_24, %jit3A_25, %select_n3A_22 : i32
    %eq3A_27 = arith.constant 7 : i32
    %eq3A_28 = arith.cmpi eq, %add3A, %eq3A_27 : i32
    %jit3A_29 = arith.constant 44 : i32
    %select_n3A_30 = arith.select %eq3A_28, %jit3A_29, %select_n3A_26 : i32
    %eq3A_31 = arith.constant 8 : i32
    %eq3A_32 = arith.cmpi eq, %add3A, %eq3A_31 : i32
    %jit3A_33 = arith.constant 16 : i32
    %select_n3A_34 = arith.select %eq3A_32, %jit3A_33, %select_n3A_30 : i32
    %eq3A_35 = arith.constant 9 : i32
    %eq3A_36 = arith.cmpi eq, %add3A, %eq3A_35 : i32
    %jit3A_37 = arith.constant 58 : i32
    %select_n3A_38 = arith.select %eq3A_36, %jit3A_37, %select_n3A_34 : i32
    %eq3A_39 = arith.constant 10 : i32
    %eq3A_40 = arith.cmpi eq, %add3A, %eq3A_39 : i32
    %jit3A_41 = arith.constant 37 : i32
    %select_n3A_42 = arith.select %eq3A_40, %jit3A_41, %select_n3A_38 : i32
    %eq3A_43 = arith.constant 11 : i32
    %eq3A_44 = arith.cmpi eq, %add3A, %eq3A_43 : i32
    %jit3A_45 = arith.constant 19 : i32
    %select_n3A_46 = arith.select %eq3A_44, %jit3A_45, %select_n3A_42 : i32
    %eq3A_47 = arith.constant 12 : i32
    %eq3A_48 = arith.cmpi eq, %add3A, %eq3A_47 : i32
    %jit3A_49 = arith.constant 61 : i32
    %select_n3A_50 = arith.select %eq3A_48, %jit3A_49, %select_n3A_46 : i32
    %eq3A_51 = arith.constant 13 : i32
    %eq3A_52 = arith.cmpi eq, %add3A, %eq3A_51 : i32
    %jit3A_53 = arith.constant 2 : i32
    %select_n3A_54 = arith.select %eq3A_52, %jit3A_53, %select_n3A_50 : i32
    %eq3A_55 = arith.constant 14 : i32
    %eq3A_56 = arith.cmpi eq, %add3A, %eq3A_55 : i32
    %jit3A_57 = arith.constant 34 : i32
    %select_n3A_58 = arith.select %eq3A_56, %jit3A_57, %select_n3A_54 : i32
    %eq3A_59 = arith.constant 15 : i32
    %eq3A_60 = arith.cmpi eq, %add3A, %eq3A_59 : i32
    %jit3A_61 = arith.constant 5 : i32
    %select_n3A_62 = arith.select %eq3A_60, %jit3A_61, %select_n3A_58 : i32
    %eq3A_63 = arith.constant 16 : i32
    %eq3A_64 = arith.cmpi eq, %add3A, %eq3A_63 : i32
    %jit3A_65 = arith.constant 30 : i32
    %select_n3A_66 = arith.select %eq3A_64, %jit3A_65, %select_n3A_62 : i32
    %eq3A_67 = arith.constant 17 : i32
    %eq3A_68 = arith.cmpi eq, %add3A, %eq3A_67 : i32
    %jit3A_69 = arith.constant 42 : i32
    %select_n3A_70 = arith.select %eq3A_68, %jit3A_69, %select_n3A_66 : i32
    %eq3A_71 = arith.constant 18 : i32
    %eq3A_72 = arith.cmpi eq, %add3A, %eq3A_71 : i32
    %jit3A_73 = arith.constant 3 : i32
    %select_n3A_74 = arith.select %eq3A_72, %jit3A_73, %select_n3A_70 : i32
    %eq3A_75 = arith.constant 19 : i32
    %eq3A_76 = arith.cmpi eq, %add3A, %eq3A_75 : i32
    %jit3A_77 = arith.constant 39 : i32
    %select_n3A_78 = arith.select %eq3A_76, %jit3A_77, %select_n3A_74 : i32
    %eq3A_79 = arith.constant 20 : i32
    %eq3A_80 = arith.cmpi eq, %add3A, %eq3A_79 : i32
    %jit3A_81 = arith.constant 56 : i32
    %select_n3A_82 = arith.select %eq3A_80, %jit3A_81, %select_n3A_78 : i32
    %eq3A_83 = arith.constant 21 : i32
    %eq3A_84 = arith.cmpi eq, %add3A, %eq3A_83 : i32
    %jit3A_85 = arith.constant 22 : i32
    %select_n3A_86 = arith.select %eq3A_84, %jit3A_85, %select_n3A_82 : i32
    %eq3A_87 = arith.constant 22 : i32
    %eq3A_88 = arith.cmpi eq, %add3A, %eq3A_87 : i32
    %jit3A_89 = arith.constant 6 : i32
    %select_n3A_90 = arith.select %eq3A_88, %jit3A_89, %select_n3A_86 : i32
    %eq3A_91 = arith.constant 23 : i32
    %eq3A_92 = arith.cmpi eq, %add3A, %eq3A_91 : i32
    %jit3A_93 = arith.constant 54 : i32
    %select_n3A_94 = arith.select %eq3A_92, %jit3A_93, %select_n3A_90 : i32
    %eq3A_95 = arith.constant 24 : i32
    %eq3A_96 = arith.cmpi eq, %add3A, %eq3A_95 : i32
    %jit3A_97 = arith.constant 18 : i32
    %select_n3A_98 = arith.select %eq3A_96, %jit3A_97, %select_n3A_94 : i32
    %eq3A_99 = arith.constant 25 : i32
    %eq3A_100 = arith.cmpi eq, %add3A, %eq3A_99 : i32
    %jit3A_101 = arith.constant 10 : i32
    %select_n3A_102 = arith.select %eq3A_100, %jit3A_101, %select_n3A_98 : i32
    %eq3A_103 = arith.constant 26 : i32
    %eq3A_104 = arith.cmpi eq, %add3A, %eq3A_103 : i32
    %jit3A_105 = arith.constant 11 : i32
    %select_n3A_106 = arith.select %eq3A_104, %jit3A_105, %select_n3A_102 : i32
    %eq3A_107 = arith.constant 27 : i32
    %eq3A_108 = arith.cmpi eq, %add3A, %eq3A_107 : i32
    %jit3A_109 = arith.constant 53 : i32
    %select_n3A_110 = arith.select %eq3A_108, %jit3A_109, %select_n3A_106 : i32
    %eq3A_111 = arith.constant 28 : i32
    %eq3A_112 = arith.cmpi eq, %add3A, %eq3A_111 : i32
    %jit3A_113 = arith.constant 32 : i32
    %select_n3A_114 = arith.select %eq3A_112, %jit3A_113, %select_n3A_110 : i32
    %eq3A_115 = arith.constant 29 : i32
    %eq3A_116 = arith.cmpi eq, %add3A, %eq3A_115 : i32
    %jit3A_117 = arith.constant 15 : i32
    %select_n3A_118 = arith.select %eq3A_116, %jit3A_117, %select_n3A_114 : i32
    %eq3A_119 = arith.constant 30 : i32
    %eq3A_120 = arith.cmpi eq, %add3A, %eq3A_119 : i32
    %jit3A_121 = arith.constant 49 : i32
    %select_n3A_122 = arith.select %eq3A_120, %jit3A_121, %select_n3A_118 : i32
    %eq3A_123 = arith.constant 31 : i32
    %eq3A_124 = arith.cmpi eq, %add3A, %eq3A_123 : i32
    %jit3A_125 = arith.constant 50 : i32
    %select_n3A_126 = arith.select %eq3A_124, %jit3A_125, %select_n3A_122 : i32
    %dma_start3A = arith.constant 0 : i32
    %dma_start3A_127 = tpu.memref_slice %arg2[%select_n3A_126, %dma_start3A] : memref<64x100000xi32, #tpu.memory_space<hbm>> -> memref<1x100000xi32, #tpu.memory_space<hbm>>
    %dma_start3A_128 = arith.constant 0 : i32
    %dma_start3A_129 = tpu.memref_slice %arg2[%select_n3A_126, %dma_start3A_128] : memref<64x100000xi32, #tpu.memory_space<hbm>> -> memref<1x100000xi32, #tpu.memory_space<hbm>>
    tpu.enqueue_dma source(%dma_start3A_129 : memref<1x100000xi32, #tpu.memory_space<hbm>>) target(%arg5 : memref<1x100000xi32, #tpu.memory_space<vmem>>) target_semaphore(%arg11 : memref<!tpu.dma_semaphore, #tpu.memory_space<semaphore_mem>>)
    %eq3A_130 = arith.constant 0 : i32
    %eq3A_131 = arith.cmpi eq, %arg1, %eq3A_130 : i32
    %convert_element_type3A = arith.extui %eq3A_131 : i1 to i32
    %cond3A = arith.constant 0 : i32
    %cond3A_132 = arith.cmpi ne, %convert_element_type3A, %cond3A : i32
    scf.if %cond3A_132 {
      "tpu.region"() ({
        %run_scoped3A = tpu.sem_alloc : memref<!tpu.dma_semaphore, #tpu.memory_space<semaphore_mem>>
        tpu.enqueue_dma source(%arg3 : memref<65536xi32, #tpu.memory_space<hbm>>) target(%arg6 : memref<65536xi32, #tpu.memory_space<vmem_shared>>) target_semaphore(%run_scoped3A : memref<!tpu.dma_semaphore, #tpu.memory_space<semaphore_mem>>)
        tpu.wait_dma2 semaphore(%run_scoped3A : memref<!tpu.dma_semaphore, #tpu.memory_space<semaphore_mem>>) src(%arg3 : memref<65536xi32, #tpu.memory_space<hbm>>) dst(%arg6 : memref<65536xi32, #tpu.memory_space<vmem_shared>>)
        tpu.yield
      }) : () -> ()
    } else {
    }
    %barrier3A = arith.constant 0 : index
    tpu.barrier barrier_id(%barrier3A)
    %dma_start3A_133 = arith.constant 0 : i32
    %dma_start3A_134 = tpu.memref_slice %arg6[%dma_start3A_133] : memref<65536xi32, #tpu.memory_space<vmem_shared>> -> memref<4096xi32, #tpu.memory_space<vmem_shared>>
    %dma_start3A_135 = arith.constant 0 : i32
    %dma_start3A_136 = tpu.memref_slice %arg6[%dma_start3A_135] : memref<65536xi32, #tpu.memory_space<vmem_shared>> -> memref<4096xi32, #tpu.memory_space<vmem_shared>>
    tpu.enqueue_dma source(%dma_start3A_136 : memref<4096xi32, #tpu.memory_space<vmem_shared>>) target(%arg7 : memref<4096xi32, #tpu.memory_space<vmem>>) target_semaphore(%arg12 : memref<!tpu.dma_semaphore, #tpu.memory_space<semaphore_mem>>)
    %dma_start3A_137 = arith.constant 4096 : i32
    %dma_start3A_138 = tpu.memref_slice %arg6[%dma_start3A_137] : memref<65536xi32, #tpu.memory_space<vmem_shared>> -> memref<4096xi32, #tpu.memory_space<vmem_shared>>
    %dma_start3A_139 = arith.constant 4096 : i32
    %dma_start3A_140 = tpu.memref_slice %arg6[%dma_start3A_139] : memref<65536xi32, #tpu.memory_space<vmem_shared>> -> memref<4096xi32, #tpu.memory_space<vmem_shared>>
    tpu.enqueue_dma source(%dma_start3A_140 : memref<4096xi32, #tpu.memory_space<vmem_shared>>) target(%arg8 : memref<4096xi32, #tpu.memory_space<vmem>>) target_semaphore(%arg13 : memref<!tpu.dma_semaphore, #tpu.memory_space<semaphore_mem>>)
    %dma_wait3A = arith.constant 0 : i32
    %dma_wait3A_141 = tpu.memref_slice %arg2[%select_n3A_126, %dma_wait3A] : memref<64x100000xi32, #tpu.memory_space<hbm>> -> memref<1x100000xi32, #tpu.memory_space<hbm>>
    %dma_wait3A_142 = arith.constant 0 : i32
    %dma_wait3A_143 = tpu.memref_slice %arg2[%select_n3A_126, %dma_wait3A_142] : memref<64x100000xi32, #tpu.memory_space<hbm>> -> memref<1x100000xi32, #tpu.memory_space<hbm>>
    tpu.wait_dma2 semaphore(%arg11 : memref<!tpu.dma_semaphore, #tpu.memory_space<semaphore_mem>>) src(%dma_wait3A_143 : memref<1x100000xi32, #tpu.memory_space<hbm>>) dst(%arg5 : memref<1x100000xi32, #tpu.memory_space<vmem>>)
    %scan3A = arith.constant 0 : i32
    %scan3A_144 = arith.constant 0 : i32
    %scan3A_145 = arith.constant 8 : i32
    %scan3A_146 = arith.addi %scan3A_144, %scan3A_145 : i32
    %scan3A_147 = arith.constant 1 : i32
    %scan3A_148 = scf.for %scan3A_162 = %scan3A_144 to %scan3A_146 step %scan3A_147 iter_args(%scan3A_163 = %scan3A) -> (i32)  : i32 {
      %mul3A_164 = arith.constant 2 : i32
      %mul3A_165 = arith.muli %scan3A_162, %mul3A_164 : i32
      %add3A_166 = arith.constant 0 : i32
      %add3A_167 = arith.addi %mul3A_165, %add3A_166 : i32
      %dma_wait3A_168 = arith.constant 0 : i32
      %dma_wait3A_169 = tpu.memref_slice %arg6[%dma_wait3A_168] : memref<65536xi32, #tpu.memory_space<vmem_shared>> -> memref<4096xi32, #tpu.memory_space<vmem_shared>>
      %dma_wait3A_170 = arith.constant 0 : i32
      %dma_wait3A_171 = tpu.memref_slice %arg6[%dma_wait3A_170] : memref<65536xi32, #tpu.memory_space<vmem_shared>> -> memref<4096xi32, #tpu.memory_space<vmem_shared>>
      tpu.wait_dma2 semaphore(%arg12 : memref<!tpu.dma_semaphore, #tpu.memory_space<semaphore_mem>>) src(%dma_wait3A_171 : memref<4096xi32, #tpu.memory_space<vmem_shared>>) dst(%arg7 : memref<4096xi32, #tpu.memory_space<vmem>>)
      %ge3A = arith.constant 2 : i32
      %ge3A_172 = arith.cmpi sge, %add3A_167, %ge3A : i32
      %convert_element_type3A_173 = arith.extui %ge3A_172 : i1 to i32
      %cond3A_174 = arith.constant 0 : i32
      %cond3A_175 = arith.cmpi ne, %convert_element_type3A_173, %cond3A_174 : i32
      scf.if %cond3A_175 {
        %dma_wait3A_228 = arith.constant 0 : i32
        %dma_wait3A_229 = arith.constant 0 : i32
        %dma_wait3A_230 = tpu.memref_slice %arg4[%dma_wait3A_228, %dma_wait3A_229] : memref<32x65536xi32, #tpu.memory_space<hbm>> -> memref<1x4096xi32, #tpu.memory_space<hbm>>
        %dma_wait3A_231 = arith.constant 0 : i32
        %dma_wait3A_232 = arith.constant 0 : i32
        %dma_wait3A_233 = tpu.memref_slice %arg4[%dma_wait3A_231, %dma_wait3A_232] : memref<32x65536xi32, #tpu.memory_space<hbm>> -> memref<1x4096xi32, #tpu.memory_space<hbm>>
        tpu.wait_dma2 semaphore(%arg14 : memref<!tpu.dma_semaphore, #tpu.memory_space<semaphore_mem>>) src(%arg9 : memref<1x4096xi32, #tpu.memory_space<vmem>>) dst(%dma_wait3A_233 : memref<1x4096xi32, #tpu.memory_space<hbm>>)
      } else {
      }
      %broadcast_in_dim3A = arith.constant 0 : i32
      %broadcast_in_dim3A_176 = vector.broadcast %broadcast_in_dim3A : i32 to vector<16xi32>
      %scan3A_177 = arith.constant 0 : i32
      %scan3A_178 = arith.constant 0 : i32
      %scan3A_179 = arith.constant 32 : i32
      %scan3A_180 = arith.addi %scan3A_178, %scan3A_179 : i32
      %scan3A_181 = arith.constant 1 : i32
      %scan3A_182 = scf.for %scan3A_228 = %scan3A_178 to %scan3A_180 step %scan3A_181 iter_args(%scan3A_229 = %scan3A_177) -> (i32)  : i32 {
        %mul3A_230 = arith.constant 128 : i32
        %mul3A_231 = arith.muli %scan3A_228, %mul3A_230 : i32
        %add3A_232 = arith.constant 0 : i32
        %add3A_233 = arith.addi %mul3A_231, %add3A_232 : i32
        %get3A = arith.index_cast %add3A_233 : i32 to index
        %get3A_234 = tpu.vector_load %arg7[%get3A] {strides = array<i32>} : memref<4096xi32, #tpu.memory_space<vmem>>, vector<16xi32>,
        %add3A_235 = arith.constant 16 : i32
        %add3A_236 = arith.addi %mul3A_231, %add3A_235 : i32
        %get3A_237 = arith.index_cast %add3A_236 : i32 to index
        %get3A_238 = tpu.vector_load %arg7[%get3A_237] {strides = array<i32>} : memref<4096xi32, #tpu.memory_space<vmem>>, vector<16xi32>,
        %add3A_239 = arith.constant 32 : i32
        %add3A_240 = arith.addi %mul3A_231, %add3A_239 : i32
        %get3A_241 = arith.index_cast %add3A_240 : i32 to index
        %get3A_242 = tpu.vector_load %arg7[%get3A_241] {strides = array<i32>} : memref<4096xi32, #tpu.memory_space<vmem>>, vector<16xi32>,
        %add3A_243 = arith.constant 48 : i32
        %add3A_244 = arith.addi %mul3A_231, %add3A_243 : i32
        %get3A_245 = arith.index_cast %add3A_244 : i32 to index
        %get3A_246 = tpu.vector_load %arg7[%get3A_245] {strides = array<i32>} : memref<4096xi32, #tpu.memory_space<vmem>>, vector<16xi32>,
        %add3A_247 = arith.constant 64 : i32
        %add3A_248 = arith.addi %mul3A_231, %add3A_247 : i32
        %get3A_249 = arith.index_cast %add3A_248 : i32 to index
        %get3A_250 = tpu.vector_load %arg7[%get3A_249] {strides = array<i32>} : memref<4096xi32, #tpu.memory_space<vmem>>, vector<16xi32>,
        %add3A_251 = arith.constant 80 : i32
        %add3A_252 = arith.addi %mul3A_231, %add3A_251 : i32
        %get3A_253 = arith.index_cast %add3A_252 : i32 to index
        %get3A_254 = tpu.vector_load %arg7[%get3A_253] {strides = array<i32>} : memref<4096xi32, #tpu.memory_space<vmem>>, vector<16xi32>,
        %add3A_255 = arith.constant 96 : i32
        %add3A_256 = arith.addi %mul3A_231, %add3A_255 : i32
        %get3A_257 = arith.index_cast %add3A_256 : i32 to index
        %get3A_258 = tpu.vector_load %arg7[%get3A_257] {strides = array<i32>} : memref<4096xi32, #tpu.memory_space<vmem>>, vector<16xi32>,
        %add3A_259 = arith.constant 112 : i32
        %add3A_260 = arith.addi %mul3A_231, %add3A_259 : i32
        %get3A_261 = arith.index_cast %add3A_260 : i32 to index
        %get3A_262 = tpu.vector_load %arg7[%get3A_261] {strides = array<i32>} : memref<4096xi32, #tpu.memory_space<vmem>>, vector<16xi32>,
        %gather3A = tpu.vector_load_idx %arg5[%broadcast_in_dim3A_176, %get3A_234] : memref<1x100000xi32, #tpu.memory_space<vmem>>[vector<16xi32>, vector<16xi32>], vector<16xi32>,
        %gather3A_263 = tpu.vector_load_idx %arg5[%broadcast_in_dim3A_176, %get3A_238] : memref<1x100000xi32, #tpu.memory_space<vmem>>[vector<16xi32>, vector<16xi32>], vector<16xi32>,
        %gather3A_264 = tpu.vector_load_idx %arg5[%broadcast_in_dim3A_176, %get3A_242] : memref<1x100000xi32, #tpu.memory_space<vmem>>[vector<16xi32>, vector<16xi32>], vector<16xi32>,
        %gather3A_265 = tpu.vector_load_idx %arg5[%broadcast_in_dim3A_176, %get3A_246] : memref<1x100000xi32, #tpu.memory_space<vmem>>[vector<16xi32>, vector<16xi32>], vector<16xi32>,
        %gather3A_266 = tpu.vector_load_idx %arg5[%broadcast_in_dim3A_176, %get3A_250] : memref<1x100000xi32, #tpu.memory_space<vmem>>[vector<16xi32>, vector<16xi32>], vector<16xi32>,
        %gather3A_267 = tpu.vector_load_idx %arg5[%broadcast_in_dim3A_176, %get3A_254] : memref<1x100000xi32, #tpu.memory_space<vmem>>[vector<16xi32>, vector<16xi32>], vector<16xi32>,
        %gather3A_268 = tpu.vector_load_idx %arg5[%broadcast_in_dim3A_176, %get3A_258] : memref<1x100000xi32, #tpu.memory_space<vmem>>[vector<16xi32>, vector<16xi32>], vector<16xi32>,
        %gather3A_269 = tpu.vector_load_idx %arg5[%broadcast_in_dim3A_176, %get3A_262] : memref<1x100000xi32, #tpu.memory_space<vmem>>[vector<16xi32>, vector<16xi32>], vector<16xi32>,
        %add3A_270 = arith.constant 0 : i32
        %add3A_271 = arith.addi %mul3A_231, %add3A_270 : i32
        %swap3A = arith.constant 0 : i32
        %swap3A_272 = arith.index_cast %swap3A : i32 to index
        %swap3A_273 = arith.index_cast %add3A_271 : i32 to index
        %swap3A_274 = tpu.vector_load %arg9[%swap3A_272, %swap3A_273] {strides = array<i32>} : memref<1x4096xi32, #tpu.memory_space<vmem>>, vector<16xi32>,
        tpu.vector_store %arg9[%swap3A_272, %swap3A_273], %gather3A {strides = array<i32>} : memref<1x4096xi32, #tpu.memory_space<vmem>>, vector<16xi32>,
        %add3A_275 = arith.constant 16 : i32
        %add3A_276 = arith.addi %mul3A_231, %add3A_275 : i32
        %swap3A_277 = arith.constant 0 : i32
        %swap3A_278 = arith.index_cast %swap3A_277 : i32 to index
        %swap3A_279 = arith.index_cast %add3A_276 : i32 to index
        %swap3A_280 = tpu.vector_load %arg9[%swap3A_278, %swap3A_279] {strides = array<i32>} : memref<1x4096xi32, #tpu.memory_space<vmem>>, vector<16xi32>,
        tpu.vector_store %arg9[%swap3A_278, %swap3A_279], %gather3A_263 {strides = array<i32>} : memref<1x4096xi32, #tpu.memory_space<vmem>>, vector<16xi32>,
        %add3A_281 = arith.constant 32 : i32
        %add3A_282 = arith.addi %mul3A_231, %add3A_281 : i32
        %swap3A_283 = arith.constant 0 : i32
        %swap3A_284 = arith.index_cast %swap3A_283 : i32 to index
        %swap3A_285 = arith.index_cast %add3A_282 : i32 to index
        %swap3A_286 = tpu.vector_load %arg9[%swap3A_284, %swap3A_285] {strides = array<i32>} : memref<1x4096xi32, #tpu.memory_space<vmem>>, vector<16xi32>,
        tpu.vector_store %arg9[%swap3A_284, %swap3A_285], %gather3A_264 {strides = array<i32>} : memref<1x4096xi32, #tpu.memory_space<vmem>>, vector<16xi32>,
        %add3A_287 = arith.constant 48 : i32
        %add3A_288 = arith.addi %mul3A_231, %add3A_287 : i32
        %swap3A_289 = arith.constant 0 : i32
        %swap3A_290 = arith.index_cast %swap3A_289 : i32 to index
        %swap3A_291 = arith.index_cast %add3A_288 : i32 to index
        %swap3A_292 = tpu.vector_load %arg9[%swap3A_290, %swap3A_291] {strides = array<i32>} : memref<1x4096xi32, #tpu.memory_space<vmem>>, vector<16xi32>,
        tpu.vector_store %arg9[%swap3A_290, %swap3A_291], %gather3A_265 {strides = array<i32>} : memref<1x4096xi32, #tpu.memory_space<vmem>>, vector<16xi32>,
        %add3A_293 = arith.constant 64 : i32
        %add3A_294 = arith.addi %mul3A_231, %add3A_293 : i32
        %swap3A_295 = arith.constant 0 : i32
        %swap3A_296 = arith.index_cast %swap3A_295 : i32 to index
        %swap3A_297 = arith.index_cast %add3A_294 : i32 to index
        %swap3A_298 = tpu.vector_load %arg9[%swap3A_296, %swap3A_297] {strides = array<i32>} : memref<1x4096xi32, #tpu.memory_space<vmem>>, vector<16xi32>,
        tpu.vector_store %arg9[%swap3A_296, %swap3A_297], %gather3A_266 {strides = array<i32>} : memref<1x4096xi32, #tpu.memory_space<vmem>>, vector<16xi32>,
        %add3A_299 = arith.constant 80 : i32
        %add3A_300 = arith.addi %mul3A_231, %add3A_299 : i32
        %swap3A_301 = arith.constant 0 : i32
        %swap3A_302 = arith.index_cast %swap3A_301 : i32 to index
        %swap3A_303 = arith.index_cast %add3A_300 : i32 to index
        %swap3A_304 = tpu.vector_load %arg9[%swap3A_302, %swap3A_303] {strides = array<i32>} : memref<1x4096xi32, #tpu.memory_space<vmem>>, vector<16xi32>,
        tpu.vector_store %arg9[%swap3A_302, %swap3A_303], %gather3A_267 {strides = array<i32>} : memref<1x4096xi32, #tpu.memory_space<vmem>>, vector<16xi32>,
        %add3A_305 = arith.constant 96 : i32
        %add3A_306 = arith.addi %mul3A_231, %add3A_305 : i32
        %swap3A_307 = arith.constant 0 : i32
        %swap3A_308 = arith.index_cast %swap3A_307 : i32 to index
        %swap3A_309 = arith.index_cast %add3A_306 : i32 to index
        %swap3A_310 = tpu.vector_load %arg9[%swap3A_308, %swap3A_309] {strides = array<i32>} : memref<1x4096xi32, #tpu.memory_space<vmem>>, vector<16xi32>,
        tpu.vector_store %arg9[%swap3A_308, %swap3A_309], %gather3A_268 {strides = array<i32>} : memref<1x4096xi32, #tpu.memory_space<vmem>>, vector<16xi32>,
        %add3A_311 = arith.constant 112 : i32
        %add3A_312 = arith.addi %mul3A_231, %add3A_311 : i32
        %swap3A_313 = arith.constant 0 : i32
        %swap3A_314 = arith.index_cast %swap3A_313 : i32 to index
        %swap3A_315 = arith.index_cast %add3A_312 : i32 to index
        %swap3A_316 = tpu.vector_load %arg9[%swap3A_314, %swap3A_315] {strides = array<i32>} : memref<1x4096xi32, #tpu.memory_space<vmem>>, vector<16xi32>,
        tpu.vector_store %arg9[%swap3A_314, %swap3A_315], %gather3A_269 {strides = array<i32>} : memref<1x4096xi32, #tpu.memory_space<vmem>>, vector<16xi32>,
        %scan3A_317 = arith.constant 0 : i32
        scf.yield %scan3A_317 : i32
      }
      %scan3A_183 = arith.constant 32 : i32
      %mul3A_184 = arith.constant 4096 : i32
      %mul3A_185 = arith.muli %add3A_167, %mul3A_184 : i32
      %dma_start3A_186 = tpu.memref_slice %arg4[%add3A, %mul3A_185] : memref<32x65536xi32, #tpu.memory_space<hbm>> -> memref<1x4096xi32, #tpu.memory_space<hbm>>
      %dma_start3A_187 = tpu.memref_slice %arg4[%add3A, %mul3A_185] : memref<32x65536xi32, #tpu.memory_space<hbm>> -> memref<1x4096xi32, #tpu.memory_space<hbm>>
      tpu.enqueue_dma source(%arg9 : memref<1x4096xi32, #tpu.memory_space<vmem>>) target(%dma_start3A_187 : memref<1x4096xi32, #tpu.memory_space<hbm>>) target_semaphore(%arg14 : memref<!tpu.dma_semaphore, #tpu.memory_space<semaphore_mem>>)
      %add3A_188 = arith.constant 2 : i32
      %add3A_189 = arith.addi %add3A_167, %add3A_188 : i32
      %lt3A = arith.constant 16 : i32
      %lt3A_190 = arith.cmpi slt, %add3A_189, %lt3A : i32
      %convert_element_type3A_191 = arith.extui %lt3A_190 : i1 to i32
      %cond3A_192 = arith.constant 0 : i32
      %cond3A_193 = arith.cmpi ne, %convert_element_type3A_191, %cond3A_192 : i32
      scf.if %cond3A_193 {
        %add3A_228 = arith.constant 2 : i32
        %add3A_229 = arith.addi %add3A_167, %add3A_228 : i32
        %mul3A_230 = arith.constant 4096 : i32
        %mul3A_231 = arith.muli %add3A_229, %mul3A_230 : i32
        %dma_start3A_232 = tpu.memref_slice %arg6[%mul3A_231] : memref<65536xi32, #tpu.memory_space<vmem_shared>> -> memref<4096xi32, #tpu.memory_space<vmem_shared>>
        %dma_start3A_233 = tpu.memref_slice %arg6[%mul3A_231] : memref<65536xi32, #tpu.memory_space<vmem_shared>> -> memref<4096xi32, #tpu.memory_space<vmem_shared>>
        tpu.enqueue_dma source(%dma_start3A_233 : memref<4096xi32, #tpu.memory_space<vmem_shared>>) target(%arg7 : memref<4096xi32, #tpu.memory_space<vmem>>) target_semaphore(%arg12 : memref<!tpu.dma_semaphore, #tpu.memory_space<semaphore_mem>>)
      } else {
      }
      %mul3A_194 = arith.constant 2 : i32
      %mul3A_195 = arith.muli %scan3A_162, %mul3A_194 : i32
      %add3A_196 = arith.constant 1 : i32
      %add3A_197 = arith.addi %mul3A_195, %add3A_196 : i32
      %dma_wait3A_198 = arith.constant 0 : i32
      %dma_wait3A_199 = tpu.memref_slice %arg6[%dma_wait3A_198] : memref<65536xi32, #tpu.memory_space<vmem_shared>> -> memref<4096xi32, #tpu.memory_space<vmem_shared>>
      %dma_wait3A_200 = arith.constant 0 : i32
      %dma_wait3A_201 = tpu.memref_slice %arg6[%dma_wait3A_200] : memref<65536xi32, #tpu.memory_space<vmem_shared>> -> memref<4096xi32, #tpu.memory_space<vmem_shared>>
      tpu.wait_dma2 semaphore(%arg13 : memref<!tpu.dma_semaphore, #tpu.memory_space<semaphore_mem>>) src(%dma_wait3A_201 : memref<4096xi32, #tpu.memory_space<vmem_shared>>) dst(%arg8 : memref<4096xi32, #tpu.memory_space<vmem>>)
      %ge3A_202 = arith.constant 2 : i32
      %ge3A_203 = arith.cmpi sge, %add3A_197, %ge3A_202 : i32
      %convert_element_type3A_204 = arith.extui %ge3A_203 : i1 to i32
      %cond3A_205 = arith.constant 0 : i32
      %cond3A_206 = arith.cmpi ne, %convert_element_type3A_204, %cond3A_205 : i32
      scf.if %cond3A_206 {
        %dma_wait3A_228 = arith.constant 0 : i32
        %dma_wait3A_229 = arith.constant 0 : i32
        %dma_wait3A_230 = tpu.memref_slice %arg4[%dma_wait3A_228, %dma_wait3A_229] : memref<32x65536xi32, #tpu.memory_space<hbm>> -> memref<1x4096xi32, #tpu.memory_space<hbm>>
        %dma_wait3A_231 = arith.constant 0 : i32
        %dma_wait3A_232 = arith.constant 0 : i32
        %dma_wait3A_233 = tpu.memref_slice %arg4[%dma_wait3A_231, %dma_wait3A_232] : memref<32x65536xi32, #tpu.memory_space<hbm>> -> memref<1x4096xi32, #tpu.memory_space<hbm>>
        tpu.wait_dma2 semaphore(%arg15 : memref<!tpu.dma_semaphore, #tpu.memory_space<semaphore_mem>>) src(%arg10 : memref<1x4096xi32, #tpu.memory_space<vmem>>) dst(%dma_wait3A_233 : memref<1x4096xi32, #tpu.memory_space<hbm>>)
      } else {
      }
      %broadcast_in_dim3A_207 = arith.constant 0 : i32
      %broadcast_in_dim3A_208 = vector.broadcast %broadcast_in_dim3A_207 : i32 to vector<16xi32>
      %scan3A_209 = arith.constant 0 : i32
      %scan3A_210 = arith.constant 0 : i32
      %scan3A_211 = arith.constant 32 : i32
      %scan3A_212 = arith.addi %scan3A_210, %scan3A_211 : i32
      %scan3A_213 = arith.constant 1 : i32
      %scan3A_214 = scf.for %scan3A_228 = %scan3A_210 to %scan3A_212 step %scan3A_213 iter_args(%scan3A_229 = %scan3A_209) -> (i32)  : i32 {
        %mul3A_230 = arith.constant 128 : i32
        %mul3A_231 = arith.muli %scan3A_228, %mul3A_230 : i32
        %add3A_232 = arith.constant 0 : i32
        %add3A_233 = arith.addi %mul3A_231, %add3A_232 : i32
        %get3A = arith.index_cast %add3A_233 : i32 to index
        %get3A_234 = tpu.vector_load %arg8[%get3A] {strides = array<i32>} : memref<4096xi32, #tpu.memory_space<vmem>>, vector<16xi32>,
        %add3A_235 = arith.constant 16 : i32
        %add3A_236 = arith.addi %mul3A_231, %add3A_235 : i32
        %get3A_237 = arith.index_cast %add3A_236 : i32 to index
        %get3A_238 = tpu.vector_load %arg8[%get3A_237] {strides = array<i32>} : memref<4096xi32, #tpu.memory_space<vmem>>, vector<16xi32>,
        %add3A_239 = arith.constant 32 : i32
        %add3A_240 = arith.addi %mul3A_231, %add3A_239 : i32
        %get3A_241 = arith.index_cast %add3A_240 : i32 to index
        %get3A_242 = tpu.vector_load %arg8[%get3A_241] {strides = array<i32>} : memref<4096xi32, #tpu.memory_space<vmem>>, vector<16xi32>,
        %add3A_243 = arith.constant 48 : i32
        %add3A_244 = arith.addi %mul3A_231, %add3A_243 : i32
        %get3A_245 = arith.index_cast %add3A_244 : i32 to index
        %get3A_246 = tpu.vector_load %arg8[%get3A_245] {strides = array<i32>} : memref<4096xi32, #tpu.memory_space<vmem>>, vector<16xi32>,
        %add3A_247 = arith.constant 64 : i32
        %add3A_248 = arith.addi %mul3A_231, %add3A_247 : i32
        %get3A_249 = arith.index_cast %add3A_248 : i32 to index
        %get3A_250 = tpu.vector_load %arg8[%get3A_249] {strides = array<i32>} : memref<4096xi32, #tpu.memory_space<vmem>>, vector<16xi32>,
        %add3A_251 = arith.constant 80 : i32
        %add3A_252 = arith.addi %mul3A_231, %add3A_251 : i32
        %get3A_253 = arith.index_cast %add3A_252 : i32 to index
        %get3A_254 = tpu.vector_load %arg8[%get3A_253] {strides = array<i32>} : memref<4096xi32, #tpu.memory_space<vmem>>, vector<16xi32>,
        %add3A_255 = arith.constant 96 : i32
        %add3A_256 = arith.addi %mul3A_231, %add3A_255 : i32
        %get3A_257 = arith.index_cast %add3A_256 : i32 to index
        %get3A_258 = tpu.vector_load %arg8[%get3A_257] {strides = array<i32>} : memref<4096xi32, #tpu.memory_space<vmem>>, vector<16xi32>,
        %add3A_259 = arith.constant 112 : i32
        %add3A_260 = arith.addi %mul3A_231, %add3A_259 : i32
        %get3A_261 = arith.index_cast %add3A_260 : i32 to index
        %get3A_262 = tpu.vector_load %arg8[%get3A_261] {strides = array<i32>} : memref<4096xi32, #tpu.memory_space<vmem>>, vector<16xi32>,
        %gather3A = tpu.vector_load_idx %arg5[%broadcast_in_dim3A_208, %get3A_234] : memref<1x100000xi32, #tpu.memory_space<vmem>>[vector<16xi32>, vector<16xi32>], vector<16xi32>,
        %gather3A_263 = tpu.vector_load_idx %arg5[%broadcast_in_dim3A_208, %get3A_238] : memref<1x100000xi32, #tpu.memory_space<vmem>>[vector<16xi32>, vector<16xi32>], vector<16xi32>,
        %gather3A_264 = tpu.vector_load_idx %arg5[%broadcast_in_dim3A_208, %get3A_242] : memref<1x100000xi32, #tpu.memory_space<vmem>>[vector<16xi32>, vector<16xi32>], vector<16xi32>,
        %gather3A_265 = tpu.vector_load_idx %arg5[%broadcast_in_dim3A_208, %get3A_246] : memref<1x100000xi32, #tpu.memory_space<vmem>>[vector<16xi32>, vector<16xi32>], vector<16xi32>,
        %gather3A_266 = tpu.vector_load_idx %arg5[%broadcast_in_dim3A_208, %get3A_250] : memref<1x100000xi32, #tpu.memory_space<vmem>>[vector<16xi32>, vector<16xi32>], vector<16xi32>,
        %gather3A_267 = tpu.vector_load_idx %arg5[%broadcast_in_dim3A_208, %get3A_254] : memref<1x100000xi32, #tpu.memory_space<vmem>>[vector<16xi32>, vector<16xi32>], vector<16xi32>,
        %gather3A_268 = tpu.vector_load_idx %arg5[%broadcast_in_dim3A_208, %get3A_258] : memref<1x100000xi32, #tpu.memory_space<vmem>>[vector<16xi32>, vector<16xi32>], vector<16xi32>,
        %gather3A_269 = tpu.vector_load_idx %arg5[%broadcast_in_dim3A_208, %get3A_262] : memref<1x100000xi32, #tpu.memory_space<vmem>>[vector<16xi32>, vector<16xi32>], vector<16xi32>,
        %add3A_270 = arith.constant 0 : i32
        %add3A_271 = arith.addi %mul3A_231, %add3A_270 : i32
        %swap3A = arith.constant 0 : i32
        %swap3A_272 = arith.index_cast %swap3A : i32 to index
        %swap3A_273 = arith.index_cast %add3A_271 : i32 to index
        %swap3A_274 = tpu.vector_load %arg10[%swap3A_272, %swap3A_273] {strides = array<i32>} : memref<1x4096xi32, #tpu.memory_space<vmem>>, vector<16xi32>,
        tpu.vector_store %arg10[%swap3A_272, %swap3A_273], %gather3A {strides = array<i32>} : memref<1x4096xi32, #tpu.memory_space<vmem>>, vector<16xi32>,
        %add3A_275 = arith.constant 16 : i32
        %add3A_276 = arith.addi %mul3A_231, %add3A_275 : i32
        %swap3A_277 = arith.constant 0 : i32
        %swap3A_278 = arith.index_cast %swap3A_277 : i32 to index
        %swap3A_279 = arith.index_cast %add3A_276 : i32 to index
        %swap3A_280 = tpu.vector_load %arg10[%swap3A_278, %swap3A_279] {strides = array<i32>} : memref<1x4096xi32, #tpu.memory_space<vmem>>, vector<16xi32>,
        tpu.vector_store %arg10[%swap3A_278, %swap3A_279], %gather3A_263 {strides = array<i32>} : memref<1x4096xi32, #tpu.memory_space<vmem>>, vector<16xi32>,
        %add3A_281 = arith.constant 32 : i32
        %add3A_282 = arith.addi %mul3A_231, %add3A_281 : i32
        %swap3A_283 = arith.constant 0 : i32
        %swap3A_284 = arith.index_cast %swap3A_283 : i32 to index
        %swap3A_285 = arith.index_cast %add3A_282 : i32 to index
        %swap3A_286 = tpu.vector_load %arg10[%swap3A_284, %swap3A_285] {strides = array<i32>} : memref<1x4096xi32, #tpu.memory_space<vmem>>, vector<16xi32>,
        tpu.vector_store %arg10[%swap3A_284, %swap3A_285], %gather3A_264 {strides = array<i32>} : memref<1x4096xi32, #tpu.memory_space<vmem>>, vector<16xi32>,
        %add3A_287 = arith.constant 48 : i32
        %add3A_288 = arith.addi %mul3A_231, %add3A_287 : i32
        %swap3A_289 = arith.constant 0 : i32
        %swap3A_290 = arith.index_cast %swap3A_289 : i32 to index
        %swap3A_291 = arith.index_cast %add3A_288 : i32 to index
        %swap3A_292 = tpu.vector_load %arg10[%swap3A_290, %swap3A_291] {strides = array<i32>} : memref<1x4096xi32, #tpu.memory_space<vmem>>, vector<16xi32>,
        tpu.vector_store %arg10[%swap3A_290, %swap3A_291], %gather3A_265 {strides = array<i32>} : memref<1x4096xi32, #tpu.memory_space<vmem>>, vector<16xi32>,
        %add3A_293 = arith.constant 64 : i32
        %add3A_294 = arith.addi %mul3A_231, %add3A_293 : i32
        %swap3A_295 = arith.constant 0 : i32
        %swap3A_296 = arith.index_cast %swap3A_295 : i32 to index
        %swap3A_297 = arith.index_cast %add3A_294 : i32 to index
        %swap3A_298 = tpu.vector_load %arg10[%swap3A_296, %swap3A_297] {strides = array<i32>} : memref<1x4096xi32, #tpu.memory_space<vmem>>, vector<16xi32>,
        tpu.vector_store %arg10[%swap3A_296, %swap3A_297], %gather3A_266 {strides = array<i32>} : memref<1x4096xi32, #tpu.memory_space<vmem>>, vector<16xi32>,
        %add3A_299 = arith.constant 80 : i32
        %add3A_300 = arith.addi %mul3A_231, %add3A_299 : i32
        %swap3A_301 = arith.constant 0 : i32
        %swap3A_302 = arith.index_cast %swap3A_301 : i32 to index
        %swap3A_303 = arith.index_cast %add3A_300 : i32 to index
        %swap3A_304 = tpu.vector_load %arg10[%swap3A_302, %swap3A_303] {strides = array<i32>} : memref<1x4096xi32, #tpu.memory_space<vmem>>, vector<16xi32>,
        tpu.vector_store %arg10[%swap3A_302, %swap3A_303], %gather3A_267 {strides = array<i32>} : memref<1x4096xi32, #tpu.memory_space<vmem>>, vector<16xi32>,
        %add3A_305 = arith.constant 96 : i32
        %add3A_306 = arith.addi %mul3A_231, %add3A_305 : i32
        %swap3A_307 = arith.constant 0 : i32
        %swap3A_308 = arith.index_cast %swap3A_307 : i32 to index
        %swap3A_309 = arith.index_cast %add3A_306 : i32 to index
        %swap3A_310 = tpu.vector_load %arg10[%swap3A_308, %swap3A_309] {strides = array<i32>} : memref<1x4096xi32, #tpu.memory_space<vmem>>, vector<16xi32>,
        tpu.vector_store %arg10[%swap3A_308, %swap3A_309], %gather3A_268 {strides = array<i32>} : memref<1x4096xi32, #tpu.memory_space<vmem>>, vector<16xi32>,
        %add3A_311 = arith.constant 112 : i32
        %add3A_312 = arith.addi %mul3A_231, %add3A_311 : i32
        %swap3A_313 = arith.constant 0 : i32
        %swap3A_314 = arith.index_cast %swap3A_313 : i32 to index
        %swap3A_315 = arith.index_cast %add3A_312 : i32 to index
        %swap3A_316 = tpu.vector_load %arg10[%swap3A_314, %swap3A_315] {strides = array<i32>} : memref<1x4096xi32, #tpu.memory_space<vmem>>, vector<16xi32>,
        tpu.vector_store %arg10[%swap3A_314, %swap3A_315], %gather3A_269 {strides = array<i32>} : memref<1x4096xi32, #tpu.memory_space<vmem>>, vector<16xi32>,
        %scan3A_317 = arith.constant 0 : i32
        scf.yield %scan3A_317 : i32
      }
      %scan3A_215 = arith.constant 32 : i32
      %mul3A_216 = arith.constant 4096 : i32
      %mul3A_217 = arith.muli %add3A_197, %mul3A_216 : i32
      %dma_start3A_218 = tpu.memref_slice %arg4[%add3A, %mul3A_217] : memref<32x65536xi32, #tpu.memory_space<hbm>> -> memref<1x4096xi32, #tpu.memory_space<hbm>>
      %dma_start3A_219 = tpu.memref_slice %arg4[%add3A, %mul3A_217] : memref<32x65536xi32, #tpu.memory_space<hbm>> -> memref<1x4096xi32, #tpu.memory_space<hbm>>
      tpu.enqueue_dma source(%arg10 : memref<1x4096xi32, #tpu.memory_space<vmem>>) target(%dma_start3A_219 : memref<1x4096xi32, #tpu.memory_space<hbm>>) target_semaphore(%arg15 : memref<!tpu.dma_semaphore, #tpu.memory_space<semaphore_mem>>)
      %add3A_220 = arith.constant 2 : i32
      %add3A_221 = arith.addi %add3A_197, %add3A_220 : i32
      %lt3A_222 = arith.constant 16 : i32
      %lt3A_223 = arith.cmpi slt, %add3A_221, %lt3A_222 : i32
      %convert_element_type3A_224 = arith.extui %lt3A_223 : i1 to i32
      %cond3A_225 = arith.constant 0 : i32
      %cond3A_226 = arith.cmpi ne, %convert_element_type3A_224, %cond3A_225 : i32
      scf.if %cond3A_226 {
        %add3A_228 = arith.constant 2 : i32
        %add3A_229 = arith.addi %add3A_197, %add3A_228 : i32
        %mul3A_230 = arith.constant 4096 : i32
        %mul3A_231 = arith.muli %add3A_229, %mul3A_230 : i32
        %dma_start3A_232 = tpu.memref_slice %arg6[%mul3A_231] : memref<65536xi32, #tpu.memory_space<vmem_shared>> -> memref<4096xi32, #tpu.memory_space<vmem_shared>>
        %dma_start3A_233 = tpu.memref_slice %arg6[%mul3A_231] : memref<65536xi32, #tpu.memory_space<vmem_shared>> -> memref<4096xi32, #tpu.memory_space<vmem_shared>>
        tpu.enqueue_dma source(%dma_start3A_233 : memref<4096xi32, #tpu.memory_space<vmem_shared>>) target(%arg8 : memref<4096xi32, #tpu.memory_space<vmem>>) target_semaphore(%arg13 : memref<!tpu.dma_semaphore, #tpu.memory_space<semaphore_mem>>)
      } else {
      }
      %scan3A_227 = arith.constant 0 : i32
      scf.yield %scan3A_227 : i32
    }
    %scan3A_149 = arith.constant 8 : i32
    %dma_wait3A_150 = arith.constant 0 : i32
    %dma_wait3A_151 = arith.constant 0 : i32
    %dma_wait3A_152 = tpu.memref_slice %arg4[%dma_wait3A_150, %dma_wait3A_151] : memref<32x65536xi32, #tpu.memory_space<hbm>> -> memref<1x4096xi32, #tpu.memory_space<hbm>>
    %dma_wait3A_153 = arith.constant 0 : i32
    %dma_wait3A_154 = arith.constant 0 : i32
    %dma_wait3A_155 = tpu.memref_slice %arg4[%dma_wait3A_153, %dma_wait3A_154] : memref<32x65536xi32, #tpu.memory_space<hbm>> -> memref<1x4096xi32, #tpu.memory_space<hbm>>
    tpu.wait_dma2 semaphore(%arg14 : memref<!tpu.dma_semaphore, #tpu.memory_space<semaphore_mem>>) src(%arg9 : memref<1x4096xi32, #tpu.memory_space<vmem>>) dst(%dma_wait3A_155 : memref<1x4096xi32, #tpu.memory_space<hbm>>)
    %dma_wait3A_156 = arith.constant 0 : i32
    %dma_wait3A_157 = arith.constant 0 : i32
    %dma_wait3A_158 = tpu.memref_slice %arg4[%dma_wait3A_156, %dma_wait3A_157] : memref<32x65536xi32, #tpu.memory_space<hbm>> -> memref<1x4096xi32, #tpu.memory_space<hbm>>
    %dma_wait3A_159 = arith.constant 0 : i32
    %dma_wait3A_160 = arith.constant 0 : i32
    %dma_wait3A_161 = tpu.memref_slice %arg4[%dma_wait3A_159, %dma_wait3A_160] : memref<32x65536xi32, #tpu.memory_space<hbm>> -> memref<1x4096xi32, #tpu.memory_space<hbm>>
    tpu.wait_dma2 semaphore(%arg15 : memref<!tpu.dma_semaphore, #tpu.memory_space<semaphore_mem>>) src(%arg10 : memref<1x4096xi32, #tpu.memory_space<vmem>>) dst(%dma_wait3A_161 : memref<1x4096xi32, #tpu.memory_space<hbm>>)
    return
  }
}

</mosaic_0001>

<sc_bundles>
// kernel: kernel.3.cloned.1.call-start
scs
__scs_entry_jumppad:
0x0: {  	(pc) =	sbr.rel $0x88, $3  }
0x1: {  	(tag) =	ssettag $0x0;
	lr =	simm.s32 $0x1  }
0x2: {  	[smem:$0x3F9F] =	sst lr;
	_ =	strace $0xD0000000  }
0x3: {  	_ = 	snop  }
0x4: {  	_ = 	snop  }
0x5: {  	_ = 	snop  }
0x6: {  	_ = 	snop  }
0x7: {  	_ = 	snop  }
__scs_overlays_trampoline_lowered:
0x8: {  	[smem:$0x3FAE] =	sst s0  }
0x9: {  	[smem:$0x3FAF] =	sst s1  }
0xa: {  	[smem:$0x3FB0] =	sst s2  }
0xb: {  	[smem:$0x3FB1] =	sst s3  }
0xc: {  	[smem:$0x3FB2] =	sst s4  }
0xd: {  	[smem:$0x3FB3] =	sst s5  }
0xe: {  	[smem:$0x3FB4] =	sst s6  }
0xf: {  	[smem:$0x3FB5] =	sst s7  }
0x10: {  	[smem:$0x3FB6] =	sst s8  }
0x11: {  	[smem:$0x3FB7] =	sst s9;
	s0 =	simm.s32 @!p0 $0x0  }
0x12: {  	s1 =	sld [smem:$0x3F9D];
	s0 =	simm.s32 @p0 $0x1  }
0x13: {  	[smem:$0x3FB8] =	sst s0;
	s0 =	simm.s32 @!p1 $0x0  }
0x14: {  	s2 =	sld [smem:$0x3F9C];
	s0 =	simm.s32 @p1 $0x1  }
0x15: {  	[smem:$0x3FB9] =	sst s0;
	s0 =	simm.s32 @!p2 $0x0  }
0x16: {  	s3 =	sld [smem:$0x3FDB];
	s0 =	simm.s32 @p2 $0x1  }
0x17: {  	s4 =	simm.s32 $0x1BF5;
	[smem:$0x3FBB] =	sst s0  }
0x18: {  	s0 =	sld [smem:$0x3F9E];
	_ =	swait.ge [sflag:s4], $0x0  }
0x19: {  	s7 =	sld [smem:$0x3F9F]  }
0x1a: {  	s8 =	sadd.s32 $0xFFFFE003, lr  }
0x1b: {  	s9 =	sadd.s32 $0xFFFFFEF7, lr;
	s5 =	simm.s32 $0xFFFFFFFF;
	p2 =	slt.u32 s8, $0xFFFFF086  }
0x1c: {  	p1 =	slt.u32 s9, $0xF7A;
	s5 =	simm.s32 @!p2 $0x0  }
0x1d: {  	s5 =	simm.s32 @p1 $0x1;
	p0 =	seq.s32 s7, s2  }
0x1e: {  	s7 =	smul.u32 @!p0 $0xF7A, s2;
	p2 =	seq.s32 @!p0 s5, $0x0  }
0x1f: {  	s9 =	smul.u32 $0xF7A, s1;
	s8 =	simm.s32 @!p0 $0x1BF5;
	p2 =	por !p2, p0  }
0x20: {  	[sflag:s8] =	ssyncset.s32 @!p0 $0xFFFFF086;
	s6 =	sadd.s32 @!p0 s3, s7;
	s7 =	simm.s32 @!p0 $0x108  }
0x21: {  	s3 =	sadd.s32 s3, s9;
	s6 =	sadd.s32 @!p0 $0x88, s6;
	s7 =	simm.s32 @p2 $0x1082  }
0x22: {  	[simem:s7], [sflag:s8] =	dma.local @!p0 [hbm:s6], $0xF7A  }
0x23: {  	s9 =	sor.u32 $0xD0000000, s2;
	s6 =	simm.s32 $0x108;
	_ =	swait.ge @!p0 [sflag:s8], $0x0  }
0x24: {  	s3 =	sadd.s32 $0x88, s3;
	s6 =	simm.s32 @!p1 $0x1082;
	[sflag:s4] =	ssyncset.s32 $0xFFFFF086  }
0x25: {  	[simem:s6], [sflag:s4] =	dma.local [hbm:s3], $0xF7A  }
0x26: {  	[smem:$0x3F9F] =	sst s1;
	(tag) =	ssettag s2;
	_ =	strace s9  }
0x27: {  	s1 =	sld [smem:$0x3FAF]  }
0x28: {  	s2 =	sld [smem:$0x3FB0]  }
0x29: {  	s4 =	sld [smem:$0x3FB2]  }
0x2a: {  	p0 =	seq.s32 s5, $0x0;
	s5 =	sld [smem:$0x3FB3]  }
0x2b: {  	s6 =	sld [smem:$0x3FB4]  }
0x2c: {  	s7 =	sld [smem:$0x3FB5]  }
0x2d: {  	s3 =	simm.s32 $0x108;
	s8 =	sld [smem:$0x3FB6]  }
0x2e: {  	s3 =	simm.s32 @!p0 $0x1082;
	s9 =	sld [smem:$0x3FB7]  }
0x2f: {  	lr =	sadd.s32 s0, s3;
	s0 =	sld [smem:$0x3FAE]  }
0x30: {  	s3 =	sld [smem:$0x3FB1]  }
0x31: {  	[smem:$0x3FBA] =	sst s10  }
0x32: {  	s10 =	sld [smem:$0x3FB8];
	_ =	sdelay $0x3  }
0x33: {  	p0 =	seq.s32 s10, $0x1;
	s10 =	sld [smem:$0x3FBA];
	_ =	sdelay $0x3  }
0x34: {  	[smem:$0x3FBA] =	sst s10  }
0x35: {  	s10 =	sld [smem:$0x3FB9];
	_ =	sdelay $0x3  }
0x36: {  	p1 =	seq.s32 s10, $0x1;
	s10 =	sld [smem:$0x3FBA];
	_ =	sdelay $0x3  }
0x37: {  	[smem:$0x3FBA] =	sst s10  }
0x38: {  	s10 =	sld [smem:$0x3FBB]  }
0x39: {  	_ = 	snop;
	(pc) =	sbr.ind lr, $3  }
0x3a: {  	_ = 	snop  }
0x3b: {  	_ = 	snop  }
0x3c: {  	p2 =	seq.s32 s10, $0x1;
	s10 =	sld [smem:$0x3FBA]  }
0x3d: {  	_ =	shalt  }
0x3e: {  	_ =	shalt  }
0x3f: {  	_ =	shalt  }
0x40: {  	_ =	shalt  }
0x41: {  	_ =	shalt  }
0x42: {  	_ =	shalt  }
0x43: {  	_ =	shalt  }
0x44: {  	_ =	shalt  }
0x45: {  	_ =	shalt  }
0x46: {  	_ =	shalt  }
0x47: {  	_ =	shalt  }
0x48: {  	_ =	shalt  }
0x49: {  	_ =	shalt  }
0x4a: {  	_ =	shalt  }
0x4b: {  	_ =	shalt  }
0x4c: {  	_ =	shalt  }
0x4d: {  	_ =	shalt  }
0x4e: {  	_ =	shalt  }
0x4f: {  	_ =	shalt  }
0x50: {  	_ =	shalt  }
0x51: {  	_ =	shalt  }
0x52: {  	_ =	shalt  }
0x53: {  	_ =	shalt  }
0x54: {  	_ =	shalt  }
0x55: {  	_ =	shalt  }
0x56: {  	_ =	shalt  }
0x57: {  	_ =	shalt  }
0x58: {  	_ =	shalt  }
0x59: {  	_ =	shalt  }
0x5a: {  	_ =	shalt  }
0x5b: {  	_ =	shalt  }
0x5c: {  	_ =	shalt  }
0x5d: {  	_ =	shalt  }
0x5e: {  	_ =	shalt  }
0x5f: {  	_ =	shalt  }
0x60: {  	_ =	shalt  }
0x61: {  	_ =	shalt  }
0x62: {  	_ =	shalt  }
0x63: {  	_ =	shalt  }
0x64: {  	_ =	shalt  }
0x65: {  	_ =	shalt  }
0x66: {  	_ =	shalt  }
0x67: {  	_ =	shalt  }
0x68: {  	_ =	shalt  }
0x69: {  	_ =	shalt  }
0x6a: {  	_ =	shalt  }
0x6b: {  	_ =	shalt  }
0x6c: {  	_ =	shalt  }
0x6d: {  	_ =	shalt  }
0x6e: {  	_ =	shalt  }
0x6f: {  	_ =	shalt  }
0x70: {  	_ =	shalt  }
0x71: {  	_ =	shalt  }
0x72: {  	_ =	shalt  }
0x73: {  	_ =	shalt  }
0x74: {  	_ =	shalt  }
0x75: {  	_ =	shalt  }
0x76: {  	_ =	shalt  }
0x77: {  	_ =	shalt  }
0x78: {  	_ =	shalt  }
0x79: {  	_ =	shalt  }
0x7a: {  	_ =	shalt  }
0x7b: {  	_ =	shalt  }
0x7c: {  	_ =	shalt  }
0x7d: {  	_ =	shalt  }
0x7e: {  	_ =	shalt  }
0x7f: {  	_ =	shalt  }
0x80: {  	_ =	shalt  }
0x81: {  	_ =	shalt  }
0x82: {  	_ =	shalt  }
0x83: {  	_ =	shalt  }
0x84: {  	_ =	shalt  }
0x85: {  	_ =	shalt  }
0x86: {  	_ =	shalt  }
0x87: {  	_ =	shalt  }
.Lfunc_end0:
.L_simem_size_0:
called_computation_lowered:
.L_overlay_start_0:
0x88: {  	s2 =	sld [smem:$0x3FD9]  }
0x89: {  	s3 =	sld [smem:$0x3FFE];
	_ =	sdelay $0x1  }
0x8a: {  	s1 =	srdreg.scid  }
0x8b: {  	s0 =	sand.u32 $0x1, s1  }
0x8c: {  	s18 =	sshll.u32 s0, $0xA;
	s2 =	sadd.s32 s3, s2  }
0x8d: {  	s2 =	sadd.s32 s2, s18  }
0x8e: {  	[smem:$0x3FC6] =	sst s2  }
0x8f: {  	_ = 	snop  }
0x90: {  	s2 =	sld [smem:$0x3FC9]  }
0x91: {  	s19 =	sld [smem:$0x3FC8]  }
0x92: {  	s4 =	sld [smem:$0x3FD0];
	(tm) =	ssettm $0x1  }
0x93: {  	s5 =	sld [smem:$0x3FFB];
	_ =	sdelay $0x3  }
0x94: {  	_ =	strace s5  }
0x95: {  	s5 =	sld [smem:$0x3FFC];
	_ =	sdelay $0x3  }
0x96: {  	_ =	strace s5  }
0x97: {  	s5 =	sld [smem:$0x3FFD];
	_ =	sdelay $0x3  }
0x98: {  	_ =	strace s5  }
0x99: {  	_ =	strace $0x8FFFFFFF  }
0x9a: {  	s20 =	sld [smem:$0x3FDB];
	_ =	sdelay $0x1  }
0x9b: {  	s6 =	simm.s32 $_scs_section_size  }
0x9c: {  	s7 =	simm.s32 $_size__tile_overlayer_lowered;
	s8 =	simm.s32 $_tile_overlayer_lowered  }
0x9d: {  	s23 =	simm.s32 $0x1BFF;
	s22 =	sshll.u32 s8, $0x1;
	s5 =	sadd.s32 s6, s20  }
0x9e: {  	s9 =	simm.s32 $0x0;
	s21 =	sshll.u32 s7, $0x1;
	s7 =	sadd.s32 s22, s5  }
0x9f: {  	[timem:s9], [sflag:s23] =	dma.local [hbm:s7], s21  }
0xa0: {  	_ =	swait.ge [sflag:s23], s21  }
0xa1: {  	s6 =	ssub.s32 $0x0, s21;
	[sflag:s23] =	ssyncset.done $0x0  }
0xa2: {  	[sflag:s23] =	ssyncadd.s32 s6;
	_ =	sdelay $0x1  }
0xa3: {  	s24 =	simm.s32 $0x1B8B  }
0xa4: {  	_ =	swait.ge [sflag:s24], $0x1  }
0xa5: {  	[sflag:s24] =	ssyncset.done $0x0  }
0xa6: {  	s25 =	simm.s32 $0x1B8E;
	[sflag:s24] =	ssyncadd.s32 $0xFFFFFFFF  }
0xa7: {  	s26 =	simm.s32 $execute0_lowered;
	[smem:$0x3FD2] =	sst s25  }
0xa8: {  	s6 =	sshll.u32 s26, $0x1;
	_ =	strace $0x80000046;
	[dreg:$0x1] =	wrdreg $0xFFFFFFFF  }
0xa9: {  	s28 =	simm.s32 $_size_execute0_lowered;
	s5 =	sadd.s32 s5, s6;
	[dreg:$0x0] =	wrdreg $0x0  }
0xaa: {  	s6 =	sshll.u32 s28, $0x1;
	[dreg:$0x2] =	wrdreg s5  }
0xab: {  	[dreg:$0x3] =	wrdreg s6  }
0xac: {  	[dreg:$0x4] =	wrdreg $0xC0  }
0xad: {  	_ =	task [dreg:s9], $0x5FFFF  }
0xae: {  	[dreg:$0x1] =	wrdreg $0xFFFFFFFF  }
0xaf: {  	[dreg:$0x0] =	wrdreg $0x60  }
0xb0: {  	[dreg:$0x2] =	wrdreg s19  }
0xb1: {  	[dreg:$0x3] =	wrdreg s2  }
0xb2: {  	[dreg:$0x4] =	wrdreg s4  }
0xb3: {  	[dreg:$0x5] =	wrdreg $0x187000  }
0xb4: {  	[dreg:$0x6] =	wrdreg $0x9  }
0xb5: {  	_ =	task.clear_ibuf [dreg:s9], $0x7FFFF;
	_ =	strace $0x90000046  }
0xb6: {  	s29 =	simm.s32 $0x9;
	_ =	strace $0x80000048  }
0xb7: {  	_ =	swait.ge [sflag:s29], $0x1  }
0xb8: {  	[sflag:s29] =	ssyncadd.s32 $0xFFFFFFFF  }
0xb9: {  	_ =	strace $0x90000048  }
0xba: {  	_ =	sfence  }
0xbb: {  	s30 =	sld [smem:$0x0];
	_ =	sdelay $0x2  }
0xbc: {  	s31 =	sshll.u32 s1, $0xD;
	s1 =	sshrl.u32 s1, $0x2  }
0xbd: {  	s3 =	sand.u32 $0x4000, s31;
	s1 =	sadd.s32 s1, s30  }
0xbe: {  	s0 =	sor.u32 s3, s0;
	s1 =	sshll.u32 s1, $0x11  }
0xbf: {  	s0 =	sor.u32 s1, s0  }
0xc0: {  	s0 =	sadd.s32 $0x8F2B, s0  }
0xc1: {  	[sflag:s0] =	ssyncadd.remote.s32 $0x1  }
0xc2: {  	_ =	sfence.sel $0xFFFF  }
0xc3: {  	[dreg:$0x0] =	wrdreg $0xFFFFFFFF;
	(pc) =	sbr.abs _section_cstart, $3  }
0xc4: {  	[dreg:$0x1] =	wrdreg $0xFFFFFFFF  }
0xc5: {  	_ =	task.clear_ibuf [dreg:s9], $0x2FFFF;
	_ =	strace $0x9FFFFFFF  }
0xc6: {  	(tm) =	ssettm $0x7FFFFFFF  }
0xc7: {  	_ =	shalt  }
tec
execute0_lowered:
.L_overlay_start_1:
0x0: {  	(tag) =	ssettag $0x1  }
0x1: {  	s0 =	srdreg.scid;
	s9 =	stileid.u32  }
0x2: {  	s6 =	sand.u32 $0x1, s0;
	s28 =	sshll.u32 s9, $0x1  }
0x3: {  	s5 =	sor.u32 s6, s28  }
0x4: {  	s7 =	simm.s32 $0x23;
	p0 =	seq.s32 s5, $0x0  }
0x5: {  	s7 =	simm.s32 @!p0 $0x0;
	p0 =	seq.s32 s5, $0x1  }
0x6: {  	s7 =	simm.s32 @p0 $0x2D;
	p0 =	seq.s32 s5, $0x2  }
0x7: {  	s7 =	simm.s32 @p0 $0x1F;
	p0 =	seq.s32 s5, $0x3  }
0x8: {  	s7 =	simm.s32 @p0 $0x3F;
	p0 =	seq.s32 s5, $0x4  }
0x9: {  	s7 =	simm.s32 @p0 $0x7;
	p0 =	seq.s32 s5, $0x5  }
0xa: {  	s7 =	simm.s32 @p0 $0x4;
	p0 =	seq.s32 s5, $0x6  }
0xb: {  	s7 =	simm.s32 @p0 $0x1D;
	p0 =	seq.s32 s5, $0x7  }
0xc: {  	s7 =	simm.s32 @p0 $0x2C;
	p0 =	seq.s32 s5, $0x8  }
0xd: {  	s7 =	simm.s32 @p0 $0x10;
	p0 =	seq.s32 s5, $0x9  }
0xe: {  	s7 =	simm.s32 @p0 $0x3A;
	p0 =	seq.s32 s5, $0xA  }
0xf: {  	s7 =	simm.s32 @p0 $0x25;
	p0 =	seq.s32 s5, $0xB  }
0x10: {  	s7 =	simm.s32 @p0 $0x13;
	p0 =	seq.s32 s5, $0xC  }
0x11: {  	s7 =	simm.s32 @p0 $0x3D;
	p0 =	seq.s32 s5, $0xD  }
0x12: {  	s7 =	simm.s32 @p0 $0x2;
	p0 =	seq.s32 s5, $0xE  }
0x13: {  	s7 =	simm.s32 @p0 $0x22;
	p0 =	seq.s32 s5, $0xF  }
0x14: {  	s8 =	rddreg [dreg:$0x0];
	s7 =	simm.s32 @p0 $0x5;
	p0 =	seq.s32 s5, $0x10  }
0x15: {  	s1 =	rddreg [dreg:$0x2];
	s7 =	simm.s32 @p0 $0x1E;
	p0 =	seq.s32 s5, $0x11  }
0x16: {  	s3 =	rddreg [dreg:$0x3];
	s7 =	simm.s32 @p0 $0x2A;
	p0 =	seq.s32 s5, $0x12  }
0x17: {  	s2 =	rddreg [dreg:$0x4];
	s7 =	simm.s32 @p0 $0x3;
	p0 =	seq.s32 s5, $0x13  }
0x18: {  	s4 =	simm.s32 $0x0;
	s7 =	simm.s32 @p0 $0x27;
	p0 =	seq.s32 s5, $0x14  }
0x19: {  	s12 =	simm.s32 $0x19700;
	s7 =	simm.s32 @p0 $0x38;
	p0 =	seq.s32 s5, $0x15  }
0x1a: {  	s13 =	simm.s32 $0x1A700;
	s7 =	simm.s32 @p0 $0x16;
	p0 =	seq.s32 s5, $0x16  }
0x1b: {  	s14 =	simm.s32 $0x1;
	s7 =	simm.s32 @p0 $0x6;
	p0 =	seq.s32 s5, $0x17  }
0x1c: {  	s15 =	simm.s32 $0x2;
	s7 =	simm.s32 @p0 $0x36;
	p0 =	seq.s32 s5, $0x18  }
0x1d: {  	s16 =	simm.s32 $0x1B700;
	s7 =	simm.s32 @p0 $0x12;
	p0 =	seq.s32 s5, $0x19  }
0x1e: {  	s17 =	simm.s32 $0x3;
	s7 =	simm.s32 @p0 $0xA;
	p0 =	seq.s32 s5, $0x1A  }
0x1f: {  	s18 =	simm.s32 $0x5;
	s7 =	simm.s32 @p0 $0xB;
	p0 =	seq.s32 s5, $0x1B  }
0x20: {  	s19 =	simm.s32 $0x1C700;
	s7 =	simm.s32 @p0 $0x35;
	p0 =	seq.s32 s5, $0x1C  }
0x21: {  	s20 =	simm.s32 $0x4;
	s7 =	simm.s32 @p0 $0x20;
	p0 =	seq.s32 s5, $0x1D  }
0x22: {  	s21 =	simm.s32 $0x0;
	s7 =	simm.s32 @p0 $0xF;
	p0 =	seq.s32 s5, $0x1E  }
0x23: {  	s0 =	rddreg [dreg:$0x1];
	s7 =	simm.s32 @p0 $0x31;
	p0 =	seq.s32 s5, $0x1F  }
0x24: {  	[smem:$0x7FF] =	sst s4;
	s6 =	ssub.s32 $0x2, s6;
	s7 =	simm.s32 @p0 $0x32  }
0x25: {  	s29 =	sshll.u32 s9, $0x11;
	s11 =	sshrl.u32 s6, $0x1;
	s10 =	sshrl.u32 s7, $0x3  }
0x26: {  	_ =	strace $0x80000047;
	s11 =	ssub.s32 s6, s11;
	s10 =	smul.u32 $0xC3800, s10  }
.Ltmp0:
0x27: {  	s5 =	sshll.u32 s5, $0x7;
	s7 =	sshll.u32 s7, $0x7;
	(pc) =	sbr.rel .LBB2_1-.Ltmp0, $4  }
0x28: {  	s6 =	sadd.s32 $0x1000, s3;
	s31 =	sor.u32 s29, s5;
	s7 =	sand.u32 $0x380, s7  }
0x29: {  	p0 =	sne.s32 s9, $0x0;
	s9 =	simm.s32 $0x80;
	s7 =	sor.u32 s7, s10  }
0x2a: {  	s10 =	simm.s32 $0x400;
	s30 =	sshrl.u32 s7, $0x3;
	s7 =	sand.u32 $0x180380, s31  }
0x2b: {  	s5 =	sadd.s32 s8, s30;
	s8 =	smax.u32 s11, $0x1;
	s11 =	sshrl.u32 @!p0 s3, $0x3  }
.LBB2_12:
0x2c: {  	s21 =	sadd.s32 $0x1, s21  }
0x2d: {  	_ =	swait.ge [sflag:s20], $0x1000;
	p1 =	sne.s32 s21, s8  }
.Ltmp1:
0x2e: {  	[sflag:s20] =	ssyncset.done $0x0;
	(pc) =	sbr.rel @!p1 .LBB2_13-.Ltmp1, $4  }
0x2f: {  	[sflag:s20] =	ssyncadd.s32 $0xFFFFF000  }
0x30: {  	_ =	swait.ge [sflag:s18], $0x1000  }
0x31: {  	[sflag:s18] =	ssyncset.done $0x0  }
0x32: {  	[sflag:s18] =	ssyncadd.s32 $0xFFFFF000  }
.LBB2_1:
0x33: {  	[tilespmem:s4], [sflag:$0x1] =	stream.strided.gather [hbm4b:s5+s9], $0x18700, s10, s9, $0x38;
	[tilespmem:$0x1D700] =	vst v63  }
0x34: {  	s22 =	simm.s32 @!p0 $0x1C06  }
0x35: {  	[spmem:s11], [sflag:s22] =	dma.local @!p0 [hbm:s0], $0x2000  }
0x36: {  	s22 =	simm.s32 @!p0 $0x6  }
0x37: {  	_ =	swait.ge @!p0 [sflag:s22], $0x2000  }
0x38: {  	[sflag:s22] =	ssyncset.done @!p0 $0x0  }
0x39: {  	[sflag:s22] =	ssyncadd.s32 @!p0 $0xFFFFE000  }
0x3a: {  	[bflag:$0x0] =	sbarrier.arrive $0xFFFF  }
0x3b: {  	[tilespmem:s12], [sflag:$0x2] =	stream.linear.gather [spmem:s3], $0x1000, $0x38;
	[tilespmem:$0x1D700] =	vst v63  }
0x3c: {  	_ = 	snop  }
0x3d: {  	[tilespmem:s13], [sflag:$0x3] =	stream.linear.gather [spmem:s6], $0x1000, $0x38;
	[tilespmem:$0x1D700] =	vst v63  }
0x3e: {  	_ =	swait.ge [sflag:s14], $0x18700  }
0x3f: {  	[sflag:s14] =	ssyncset.done $0x0  }
0x40: {  	s22 =	simm.s32 $0x0;
	[sflag:s14] =	ssyncadd.s32 $0xFFFE7900  }
.LBB2_2:
0x41: {  	_ =	swait.ge [sflag:s15], $0x1000  }
0x42: {  	p1 =	seq.s32 s22, $0x0;
	[sflag:s15] =	ssyncset.done $0x0  }
0x43: {  	s23 =	simm.s32 @!p1 $0x4;
	[sflag:s15] =	ssyncadd.s32 $0xFFFFF000  }
0x44: {  	_ =	swait.ge @!p1 [sflag:s23], $0x1000  }
0x45: {  	[sflag:s23] =	ssyncset.done @!p1 $0x0  }
0x46: {  	s24 =	simm.s32 $0x0;
	[sflag:s23] =	ssyncadd.s32 @!p1 $0xFFFFF000  }
0x47: {  	v0 =	vld [tilespmem:s24+$0x19700]  }
0x48: {  	v1 =	vld [tilespmem:s24+$0x19770]  }
0x49: {  	v2 =	vld [tilespmem:s24+$0x19710]  }
0x4a: {  	v3 =	vld [tilespmem:s24+$0x19720]  }
0x4b: {  	v4 =	vld [tilespmem:s24+$0x19730]  }
0x4c: {  	v7 =	vld [tilespmem:s24+$0x19740]  }
0x4d: {  	v8 =	vld [tilespmem:s24+$0x19750]  }
0x4e: {  	v9 =	vld [tilespmem:s24+$0x19760]  }
0x4f: {  	v10 =	vld.idx.msk [tilespmem:v0+s4+$0x0], $0xffff  }
0x50: {  	v0 =	vld.idx.msk [tilespmem:v1+s4+$0x0], $0xffff  }
0x51: {  	v6 =	vld.idx.msk [tilespmem:v2+s4+$0x0], $0xffff  }
0x52: {  	v5 =	vld.idx.msk [tilespmem:v3+s4+$0x0], $0xffff  }
0x53: {  	v4 =	vld.idx.msk [tilespmem:v4+s4+$0x0], $0xffff  }
0x54: {  	v3 =	vld.idx.msk [tilespmem:v7+s4+$0x0], $0xffff  }
0x55: {  	v2 =	vld.idx.msk [tilespmem:v8+s4+$0x0], $0xffff  }
0x56: {  	s25 =	simm.s32 $0x80;
	v1 =	vld.idx.msk [tilespmem:v9+s4+$0x0], $0xffff;
	[tilespmem:s24+$0x1B770] =	vst v0  }
0x57: {  	s26 =	simm.s32 $0x400;
	s23 =	sshll.u32 s22, $0xF;
	v0 =	vld [tilespmem:s25+$0x19700];
	[tilespmem:s24+$0x1B700] =	vst v10  }
.LBB2_3:
0x58: {  	p2 =	sne.s32 s26, $0x3E00;
	v7 =	vld [tilespmem:s25+$0x19770];
	[tilespmem:s24+$0x1B710] =	vst v6  }
0x59: {  	v6 =	vld [tilespmem:s25+$0x19710];
	[tilespmem:s24+$0x1B720] =	vst v5  }
0x5a: {  	v5 =	vld [tilespmem:s25+$0x19720];
	[tilespmem:s24+$0x1B730] =	vst v4  }
0x5b: {  	v4 =	vld [tilespmem:s25+$0x19730];
	[tilespmem:s24+$0x1B740] =	vst v3  }
0x5c: {  	v3 =	vld [tilespmem:s25+$0x19740];
	[tilespmem:s24+$0x1B750] =	vst v2  }
0x5d: {  	v2 =	vld [tilespmem:s25+$0x19750];
	[tilespmem:s24+$0x1B760] =	vst v1;
	s24 =	smov.u32 s25  }
0x5e: {  	v1 =	vld [tilespmem:s24+$0x19760]  }
0x5f: {  	v8 =	vld.idx.msk [tilespmem:v0+s4+$0x0], $0xffff  }
0x60: {  	v0 =	vld.idx.msk [tilespmem:v7+s4+$0x0], $0xffff  }
0x61: {  	v6 =	vld.idx.msk [tilespmem:v6+s4+$0x0], $0xffff  }
0x62: {  	v5 =	vld.idx.msk [tilespmem:v5+s4+$0x0], $0xffff  }
.Ltmp2:
0x63: {  	v4 =	vld.idx.msk [tilespmem:v4+s4+$0x0], $0xffff;
	(pc) =	sbr.rel @p2 .LBB2_3-.Ltmp2, $4  }
0x64: {  	v3 =	vld.idx.msk [tilespmem:v3+s4+$0x0], $0xffff  }
0x65: {  	v2 =	vld.idx.msk [tilespmem:v2+s4+$0x0], $0xffff  }
0x66: {  	s25 =	sshra.s32 s26, $0x2;
	v1 =	vld.idx.msk [tilespmem:v1+s4+$0x0], $0xffff;
	[tilespmem:s24+$0x1B770] =	vst v0  }
0x67: {  	s26 =	sadd.s32 $0x200, s26;
	v0 =	vld [tilespmem:s25+$0x19700];
	[tilespmem:s24+$0x1B700] =	vst v8  }
0x68: {  	_ = 	snop  }
0x69: {  	v7 =	vld [tilespmem:s25+$0x19770];
	[tilespmem:s24+$0x1B710] =	vst v6  }
0x6a: {  	v6 =	vld [tilespmem:s25+$0x19710];
	[tilespmem:s24+$0x1B720] =	vst v5  }
0x6b: {  	v5 =	vld [tilespmem:s25+$0x19720];
	[tilespmem:s24+$0x1B730] =	vst v4  }
0x6c: {  	v4 =	vld [tilespmem:s25+$0x19730];
	[tilespmem:s24+$0x1B740] =	vst v3  }
0x6d: {  	v3 =	vld [tilespmem:s25+$0x19740];
	[tilespmem:s24+$0x1B750] =	vst v2  }
0x6e: {  	v2 =	vld [tilespmem:s25+$0x19750];
	[tilespmem:s24+$0x1B760] =	vst v1  }
0x6f: {  	v1 =	vld [tilespmem:s25+$0x19760]  }
0x70: {  	v0 =	vld.idx.msk [tilespmem:v0+s4+$0x0], $0xffff  }
0x71: {  	v7 =	vld.idx.msk [tilespmem:v7+s4+$0x0], $0xffff  }
0x72: {  	v6 =	vld.idx.msk [tilespmem:v6+s4+$0x0], $0xffff  }
0x73: {  	v5 =	vld.idx.msk [tilespmem:v5+s4+$0x0], $0xffff  }
0x74: {  	v4 =	vld.idx.msk [tilespmem:v4+s4+$0x0], $0xffff  }
0x75: {  	v3 =	vld.idx.msk [tilespmem:v3+s4+$0x0], $0xffff  }
0x76: {  	v2 =	vld.idx.msk [tilespmem:v2+s4+$0x0], $0xffff  }
0x77: {  	v1 =	vld.idx.msk [tilespmem:v1+s4+$0x0], $0xffff;
	[tilespmem:s25+$0x1B770] =	vst v7  }
0x78: {  	[tilespmem:s25+$0x1B700] =	vst v0  }
0x79: {  	[tilespmem:s25+$0x1B710] =	vst v6  }
0x7a: {  	p2 =	sne.s32 s22, $0x7;
	[tilespmem:s25+$0x1B720] =	vst v5  }
.Ltmp3:
0x7b: {  	s30 =	sshll.u32 s22, $0x10;
	[tilespmem:s25+$0x1B730] =	vst v4;
	(pc) =	sbr.rel @p2 .LBB2_6-.Ltmp3, $4  }
0x7c: {  	s24 =	sor.u32 s30, s7;
	[tilespmem:s25+$0x1B740] =	vst v3  }
0x7d: {  	s24 =	sshrl.u32 s24, $0x3;
	[tilespmem:s25+$0x1B750] =	vst v2  }
0x7e: {  	s31 =	sadd.s32 s1, s24;
	[tilespmem:s25+$0x1B760] =	vst v1  }
0x7f: {  	[hbm4b:s31+s9] =	stream.strided.scatter [tilespmem:s16], [sflag:$0x4], $0x1000, s10, s9, $0x38;
	[tilespmem:$0x1D700] =	vst v63  }
.Ltmp4:
0x80: {  	(pc) =	sbr.rel .LBB2_7-.Ltmp4, $4  }
0x81: {  	_ = 	snop  }
0x82: {  	_ =	swait.ge [sflag:s17], $0x1000  }
0x83: {  	[sflag:s17] =	ssyncset.done $0x0  }
0x84: {  	[sflag:s17] =	ssyncadd.s32 $0xFFFFF000  }
.LBB2_6:
0x85: {  	s25 =	sshrl.u32 s23, $0x2  }
0x86: {  	s25 =	sadd.s32 s25, s3  }
.Ltmp5:
0x87: {  	s25 =	sadd.s32 $0x2000, s25;
	(pc) =	sbr.rel @p1 .LBB2_8-.Ltmp5, $4  }
0x88: {  	[tilespmem:s12], [sflag:$0x2] =	stream.linear.gather [spmem:s25], $0x1000, $0x38;
	[tilespmem:$0x1D700] =	vst v63  }
0x89: {  	_ =	swait.ge [sflag:s17], $0x1000  }
0x8a: {  	[sflag:s17] =	ssyncset.done $0x0  }
0x8b: {  	[sflag:s17] =	ssyncadd.s32 $0xFFFFF000  }
.LBB2_7:
0x8c: {  	_ =	swait.ge [sflag:s18], $0x1000  }
0x8d: {  	[sflag:s18] =	ssyncset.done $0x0  }
0x8e: {  	[sflag:s18] =	ssyncadd.s32 $0xFFFFF000  }
.LBB2_8:
0x8f: {  	s25 =	simm.s32 $0x0  }
0x90: {  	v0 =	vld [tilespmem:s25+$0x1A700]  }
0x91: {  	v1 =	vld [tilespmem:s25+$0x1A770]  }
0x92: {  	v2 =	vld [tilespmem:s25+$0x1A710]  }
0x93: {  	v3 =	vld [tilespmem:s25+$0x1A720]  }
0x94: {  	v4 =	vld [tilespmem:s25+$0x1A730]  }
0x95: {  	v7 =	vld [tilespmem:s25+$0x1A740]  }
0x96: {  	v8 =	vld [tilespmem:s25+$0x1A750]  }
0x97: {  	v9 =	vld [tilespmem:s25+$0x1A760]  }
0x98: {  	v10 =	vld.idx.msk [tilespmem:v0+s4+$0x0], $0xffff  }
0x99: {  	v0 =	vld.idx.msk [tilespmem:v1+s4+$0x0], $0xffff  }
0x9a: {  	v6 =	vld.idx.msk [tilespmem:v2+s4+$0x0], $0xffff  }
0x9b: {  	v5 =	vld.idx.msk [tilespmem:v3+s4+$0x0], $0xffff  }
0x9c: {  	v4 =	vld.idx.msk [tilespmem:v4+s4+$0x0], $0xffff  }
0x9d: {  	v3 =	vld.idx.msk [tilespmem:v7+s4+$0x0], $0xffff  }
0x9e: {  	v2 =	vld.idx.msk [tilespmem:v8+s4+$0x0], $0xffff  }
0x9f: {  	s26 =	simm.s32 $0x80;
	v1 =	vld.idx.msk [tilespmem:v9+s4+$0x0], $0xffff;
	[tilespmem:s25+$0x1C770] =	vst v0  }
0xa0: {  	s28 =	simm.s32 $0x400;
	v0 =	vld [tilespmem:s26+$0x1A700];
	[tilespmem:s25+$0x1C700] =	vst v10  }
.LBB2_9:
0xa1: {  	p1 =	sne.s32 s28, $0x3E00;
	v7 =	vld [tilespmem:s26+$0x1A770];
	[tilespmem:s25+$0x1C710] =	vst v6  }
0xa2: {  	v6 =	vld [tilespmem:s26+$0x1A710];
	[tilespmem:s25+$0x1C720] =	vst v5  }
0xa3: {  	v5 =	vld [tilespmem:s26+$0x1A720];
	[tilespmem:s25+$0x1C730] =	vst v4  }
0xa4: {  	v4 =	vld [tilespmem:s26+$0x1A730];
	[tilespmem:s25+$0x1C740] =	vst v3  }
0xa5: {  	v3 =	vld [tilespmem:s26+$0x1A740];
	[tilespmem:s25+$0x1C750] =	vst v2  }
0xa6: {  	v2 =	vld [tilespmem:s26+$0x1A750];
	[tilespmem:s25+$0x1C760] =	vst v1;
	s25 =	smov.u32 s26  }
0xa7: {  	v1 =	vld [tilespmem:s25+$0x1A760]  }
0xa8: {  	v8 =	vld.idx.msk [tilespmem:v0+s4+$0x0], $0xffff  }
0xa9: {  	v0 =	vld.idx.msk [tilespmem:v7+s4+$0x0], $0xffff  }
0xaa: {  	v6 =	vld.idx.msk [tilespmem:v6+s4+$0x0], $0xffff  }
0xab: {  	v5 =	vld.idx.msk [tilespmem:v5+s4+$0x0], $0xffff  }
.Ltmp6:
0xac: {  	v4 =	vld.idx.msk [tilespmem:v4+s4+$0x0], $0xffff;
	(pc) =	sbr.rel @p1 .LBB2_9-.Ltmp6, $4  }
0xad: {  	v3 =	vld.idx.msk [tilespmem:v3+s4+$0x0], $0xffff  }
0xae: {  	v2 =	vld.idx.msk [tilespmem:v2+s4+$0x0], $0xffff  }
0xaf: {  	s26 =	sshra.s32 s28, $0x2;
	v1 =	vld.idx.msk [tilespmem:v1+s4+$0x0], $0xffff;
	[tilespmem:s25+$0x1C770] =	vst v0  }
0xb0: {  	s28 =	sadd.s32 $0x200, s28;
	v0 =	vld [tilespmem:s26+$0x1A700];
	[tilespmem:s25+$0x1C700] =	vst v8  }
0xb1: {  	_ = 	snop  }
0xb2: {  	v7 =	vld [tilespmem:s26+$0x1A770];
	[tilespmem:s25+$0x1C710] =	vst v6  }
0xb3: {  	v6 =	vld [tilespmem:s26+$0x1A710];
	[tilespmem:s25+$0x1C720] =	vst v5  }
0xb4: {  	v5 =	vld [tilespmem:s26+$0x1A720];
	[tilespmem:s25+$0x1C730] =	vst v4  }
0xb5: {  	v4 =	vld [tilespmem:s26+$0x1A730];
	[tilespmem:s25+$0x1C740] =	vst v3  }
0xb6: {  	v3 =	vld [tilespmem:s26+$0x1A740];
	[tilespmem:s25+$0x1C750] =	vst v2  }
0xb7: {  	v2 =	vld [tilespmem:s26+$0x1A750];
	[tilespmem:s25+$0x1C760] =	vst v1  }
0xb8: {  	v1 =	vld [tilespmem:s26+$0x1A760]  }
0xb9: {  	v0 =	vld.idx.msk [tilespmem:v0+s4+$0x0], $0xffff  }
0xba: {  	v7 =	vld.idx.msk [tilespmem:v7+s4+$0x0], $0xffff  }
0xbb: {  	v6 =	vld.idx.msk [tilespmem:v6+s4+$0x0], $0xffff  }
0xbc: {  	v5 =	vld.idx.msk [tilespmem:v5+s4+$0x0], $0xffff  }
0xbd: {  	v4 =	vld.idx.msk [tilespmem:v4+s4+$0x0], $0xffff  }
0xbe: {  	v3 =	vld.idx.msk [tilespmem:v3+s4+$0x0], $0xffff  }
0xbf: {  	v2 =	vld.idx.msk [tilespmem:v2+s4+$0x0], $0xffff  }
0xc0: {  	v1 =	vld.idx.msk [tilespmem:v1+s4+$0x0], $0xffff;
	[tilespmem:s26+$0x1C770] =	vst v7  }
0xc1: {  	[tilespmem:s26+$0x1C700] =	vst v0  }
0xc2: {  	[tilespmem:s26+$0x1C710] =	vst v6  }
0xc3: {  	p1 =	seq.s32 s22, $0x7;
	[tilespmem:s26+$0x1C720] =	vst v5  }
.Ltmp7:
0xc4: {  	[tilespmem:s26+$0x1C730] =	vst v4;
	(pc) =	sbr.rel @p1 .LBB2_12-.Ltmp7, $4  }
0xc5: {  	[tilespmem:s26+$0x1C740] =	vst v3  }
0xc6: {  	s24 =	sadd.s32 s24, s1;
	[tilespmem:s26+$0x1C750] =	vst v2  }
0xc7: {  	s24 =	sadd.s32 $0x1000, s24;
	[tilespmem:s26+$0x1C760] =	vst v1  }
0xc8: {  	[hbm4b:s24+s9] =	stream.strided.scatter [tilespmem:s19], [sflag:$0x5], $0x1000, s10, s9, $0x38;
	[tilespmem:$0x1D700] =	vst v63  }
.Ltmp8:
0xc9: {  	(pc) =	sbr.rel .LBB2_2-.Ltmp8, $4  }
0xca: {  	s23 =	sshrl.u32 s23, $0x2  }
0xcb: {  	s23 =	sadd.s32 s23, s3  }
0xcc: {  	s22 =	sadd.s32 $0x1, s22;
	s23 =	sadd.s32 $0x3000, s23  }
0xcd: {  	[tilespmem:s13], [sflag:$0x3] =	stream.linear.gather [spmem:s23], $0x1000, $0x38;
	[tilespmem:$0x1D700] =	vst v63  }
.LBB2_13:
0xce: {  	_ =	sfence.sel $0x180000  }
0xcf: {  	[bflag:$0x0] =	sbarrier.arrive $0xFFFF  }
0xd0: {  	_ =	strace $0x90000047  }
0xd1: {  	s0 =	sadd.s32 @!p0 $0x100000, s2;
	[bflag:$0x2] =	sbarrier.arrive $0xFFFF  }
0xd2: {  	[sflag:s0] =	ssyncadd.tile.s32 @!p0 $0x1;
	_ =	shalt  }
.Lfunc_end2:
_tile_overlayer_lowered:
.L_overlay_start_2:
0xd3: {  	(tag) =	ssettag $0x2  }
0xd4: {  	s0 =	rddreg [dreg:$0x0];
	s2 =	stileid.u32  }
0xd5: {  	s1 =	rddreg [dreg:$0x1];
	p0 =	sne.s32 s2, $0x0  }
0xd6: {  	s3 =	rddreg [dreg:$0x2];
	[bflag:$0x3] =	sbarrier.arrive $0xFFFF;
	s2 =	simm.s32 @!p0 $0x1C06  }
0xd7: {  	[timem:s3], [sflag:s2] =	dma.local @!p0 [hbm:s0], s1  }
0xd8: {  	s0 =	simm.s32 @!p0 $0x6  }
0xd9: {  	_ =	swait.ge @!p0 [sflag:s0], s1  }
0xda: {  	s1 =	ssub.s32 @!p0 $0x0, s1;
	[sflag:s0] =	ssyncset.done @!p0 $0x0  }
0xdb: {  	[sflag:s0] =	ssyncadd.s32 @!p0 s1  }
0xdc: {  	[bflag:$0x3] =	sbarrier.arrive $0xFFFF  }
0xdd: {  	_ =	shalt  }

</sc_bundles>
